<compile_context>
chip_gen: v7x
topology: tpu7x:2x2x1
jax: 0.10.2.dev20260603
libtpu: 0.0.44.dev20260713+nightly
codegen_flags: <defaults>
</compile_context>

<pallas_src>
import functools

import jax
import jax.numpy as jnp
from jax.experimental import pallas as pl
from jax.experimental.pallas import tpu as pltpu
from jax.experimental.pallas import tpu_sc as plsc

H = 96
W = 96
N = H * W
NPAD = N + 512
CH = 64
CHP = 128
BR = 512
CT = 1024
NEG = -1e30


def _attn_kernel(pq_ref, f_blk, lq_ref, colneg_ref, invn_ref, out_blk):
    i = pl.program_id(0)
    p_cnt = pq_ref[0]
    q_cnt = pq_ref[1]

    @pl.when(i * BR < p_cnt)
    def _compute():
        f = f_blk[...][:, :CH]
        tj = (q_cnt + CT - 1) // CT

        def body(j, carry):
            s, acc = carry
            lt = lq_ref[pl.ds(j * CT, CT), :][:, :CH]
            logits = jax.lax.dot_general(
                f, lt, (((1,), (1,)), ((), ())),
                preferred_element_type=jnp.float32)
            p = jnp.exp(logits * invn_ref[:, pl.ds(j * CT, CT)]
                        + colneg_ref[:, pl.ds(j * CT, CT)])
            s_new = s + jnp.sum(p, axis=1, keepdims=True)
            acc_new = acc + jax.lax.dot_general(
                p, lt, (((1,), (0,)), ((), ())),
                preferred_element_type=jnp.float32)
            return s_new, acc_new

        s0 = jnp.zeros((BR, 1), jnp.float32)
        a0 = jnp.zeros((BR, CH), jnp.float32)
        s, acc = jax.lax.fori_loop(0, tj, body, (s0, a0))
        out_blk[...] = jnp.concatenate(
            [acc / s, jnp.zeros((BR, CHP - CH), jnp.float32)], axis=1)

    @pl.when(i * BR >= p_cnt)
    def _zero():
        out_blk[...] = jnp.zeros((BR, CHP), jnp.float32)


TB = 512


def _pre_kernel(x_blk, f_out, l_out):
    xt = jnp.transpose(x_blk[...])
    z = jnp.zeros((TB, CHP - CH), jnp.float32)
    f_out[...] = jnp.concatenate([xt[:, :CH], z], axis=1)
    l_out[...] = jnp.concatenate([xt[:, CH:], z], axis=1)


def _tc_pre(x):
    return pl.pallas_call(
        _pre_kernel,
        grid=(N // TB,),
        in_specs=[pl.BlockSpec((CHP, TB), lambda i: (0, i))],
        out_specs=[pl.BlockSpec((TB, CHP), lambda i: (i, 0)),
                   pl.BlockSpec((TB, CHP), lambda i: (i, 0))],
        out_shape=[jax.ShapeDtypeStruct((N, CHP), jnp.float32),
                   jax.ShapeDtypeStruct((N, CHP), jnp.float32)],
        compiler_params=pltpu.CompilerParams(
            dimension_semantics=("arbitrary",)),
    )(x)


def _post_kernel(x_blk, out_blk):
    out_blk[...] = jnp.transpose(x_blk[...][:, :CH])


def _tc_post(x):
    return pl.pallas_call(
        _post_kernel,
        grid=(N // TB,),
        in_specs=[pl.BlockSpec((TB, CHP), lambda i: (i, 0))],
        out_specs=pl.BlockSpec((CH, TB), lambda i: (0, i)),
        out_shape=jax.ShapeDtypeStruct((CH, N), jnp.float32),
        compiler_params=pltpu.CompilerParams(
            dimension_semantics=("arbitrary",)),
    )(x)


NC = 2
NS = 16
NWORK = NC * NS
S = N // NWORK
JCH = 3
SC = S // JCH

@functools.cache
def _sc_mesh():
    return plsc.VectorSubcoreMesh(core_axis_name="c", subcore_axis_name="s")


def _compact_body(f2d, l2d, srcf, srcl, fp, lq, idxf_v, idxl_v, rows_f, rows_l, sem):
    wid = jax.lax.axis_index("s") * NC + jax.lax.axis_index("c")
    base = wid * S
    pltpu.sync_copy(srcf.at[wid], idxf_v)
    pltpu.sync_copy(srcl.at[wid], idxl_v)
    copies = []
    for j in range(JCH):
        copies.append(pltpu.async_copy(
            f2d.at[idxf_v.at[j]], rows_f.at[pl.ds(j * SC, SC)], sem))
        copies.append(pltpu.async_copy(
            l2d.at[idxl_v.at[j]], rows_l.at[pl.ds(j * SC, SC)], sem))
    for cp in copies:
        cp.wait()
    pltpu.sync_copy(rows_f, fp.at[pl.ds(base, S)])
    pltpu.sync_copy(rows_l, lq.at[pl.ds(base, S)])


def _sc_compact(f2d, l2d, srcf, srcl):
    return pl.kernel(
        _compact_body,
        out_type=(jax.ShapeDtypeStruct((NPAD, CHP), jnp.float32),
                  jax.ShapeDtypeStruct((NPAD, CHP), jnp.float32)),
        mesh=_sc_mesh(),
        scratch_types=[
            pltpu.VMEM((JCH, SC), jnp.int32),
            pltpu.VMEM((JCH, SC), jnp.int32),
            pltpu.VMEM((S, CHP), jnp.float32),
            pltpu.VMEM((S, CHP), jnp.float32),
            pltpu.SemaphoreType.DMA,
        ],
    )(f2d, l2d, srcf, srcl)


def _paste_body(shifted, posx, out, idx_v, rows_v, sem):
    wid = jax.lax.axis_index("s") * NC + jax.lax.axis_index("c")
    base = wid * S
    pltpu.sync_copy(posx.at[wid], idx_v)
    copies = [pltpu.async_copy(shifted.at[idx_v.at[j]],
                               rows_v.at[pl.ds(j * SC, SC)], sem)
              for j in range(JCH)]
    for cp in copies:
        cp.wait()
    pltpu.sync_copy(rows_v, out.at[pl.ds(base, S)])


def _sc_paste(shifted, posx):
    return pl.kernel(
        _paste_body,
        out_type=jax.ShapeDtypeStruct((N, CHP), jnp.float32),
        mesh=_sc_mesh(),
        scratch_types=[
            pltpu.VMEM((JCH, SC), jnp.int32),
            pltpu.VMEM((S, CHP), jnp.float32),
            pltpu.SemaphoreType.DMA,
        ],
    )(shifted, posx)


def kernel(input, mask, shift_sz, stride, triple_w, flag):
    bz, c, h, w = input.shape
    ch = c // 2
    f2d, l2d = _tc_pre(input[0].reshape(c, N))
    flag = flag.astype(jnp.int32)
    is_m = flag == 1
    mcum = jnp.cumsum(is_m.astype(jnp.int32))
    ucum = jnp.cumsum(1 - is_m.astype(jnp.int32))
    p_cnt = mcum[-1]
    q_cnt = N - p_cnt

    iota = jnp.arange(N, dtype=jnp.int32)
    srcf_flat = jnp.argsort(jnp.where(is_m, iota, iota + N)).astype(jnp.int32)
    srcf = srcf_flat.reshape(NWORK, JCH, SC)
    srcl = jnp.roll(srcf_flat, -p_cnt).reshape(NWORK, JCH, SC)
    fp, lq = _sc_compact(f2d, l2d, srcf, srcl)
    live = jnp.arange(NPAD, dtype=jnp.int32) < q_cnt
    colneg = jnp.where(live, 0.0, NEG).astype(jnp.float32).reshape(1, NPAD)
    invn = jnp.where(live, jax.lax.rsqrt(jnp.sum(lq * lq, axis=1)),
                     0.0).astype(jnp.float32).reshape(1, NPAD)
    pq = jnp.stack([p_cnt, q_cnt]).astype(jnp.int32)

    grid_spec = pltpu.PrefetchScalarGridSpec(
        num_scalar_prefetch=1,
        grid=(NPAD // BR,),
        in_specs=[
            pl.BlockSpec((BR, CHP), lambda i, pq: (i, 0)),
            pl.BlockSpec((NPAD, CHP), lambda i, pq: (0, 0)),
            pl.BlockSpec((1, NPAD), lambda i, pq: (0, 0)),
            pl.BlockSpec((1, NPAD), lambda i, pq: (0, 0)),
        ],
        out_specs=pl.BlockSpec((BR, CHP), lambda i, pq: (i, 0)),
    )
    shifted = pl.pallas_call(
        _attn_kernel,
        grid_spec=grid_spec,
        out_shape=jax.ShapeDtypeStruct((NPAD, CHP), jnp.float32),
        compiler_params=pltpu.CompilerParams(
            dimension_semantics=("arbitrary",)),
    )(pq, fp, lq, colneg, invn)

    posx = jnp.where(is_m, mcum - 1, N + (iota % (NPAD - N))).reshape(
        NWORK, JCH, SC)
    out2d = _sc_paste(shifted, posx)
    former_masked = _tc_post(out2d).reshape(1, ch, h, w)
    return jnp.concatenate([input, former_masked], axis=1)

# --- scband reference (transcript-rebuilt; emitter-appended) ---
"""Pipeline reference for scband-inner-soft-shift-triple-module-1589137899673 (READ-ONLY COPY).

The authoritative reference and input builder live on the scoring server;
editing this copy changes nothing except your own understanding.
"""

import jax, jax.numpy as jnp
import numpy as np


def setup_inputs(seed: int = 0) -> dict:
    key = jax.random.key(seed)
    k1, k2, k3 = jax.random.split(key, 3)
    inp = jax.random.normal(k1, (1, 128, 96, 96), dtype=jnp.float32)
    mask = jax.random.uniform(k2, (96, 96), dtype=jnp.float32)
    flag = jax.random.randint(k3, (9216,), 0, 2)
    return {"input": inp, "mask": mask, "shift_sz": 1, "stride": 1, "triple_w": 1, "flag": flag}


def reference(input, mask, shift_sz, stride, triple_w, flag):
    # Faithful translation of InnerSoftShiftTripleModule.forward.
    bz, c, h, w = input.shape
    former_all = input[:, : c // 2]
    latter_all = input[:, c // 2 : c // 2 + c // 2]
    # mask is only used to build inv_ex_mask in the original code, which is never
    # consumed afterwards, so it does not affect the output.
    # flag==1 marks masked (hole) pixels, flag==0 marks known pixels.
    is_mask = flag == 1
    is_unmask = flag == 0
    former = None
    latter = None
    former_masked = None
    for idx in range(bz):
        former = former_all[idx : idx + 1]
        latter = latter_all[idx : idx + 1]
        # _extract_patches_from_flag with patch_size=1: pixels (as c//2-dim vectors)
        # at flagged positions, row-major order over (h, w).
        f2d = jnp.transpose(former[0].reshape(c // 2, h * w))  # [h*w, c//2]
        l2d = jnp.transpose(latter[0].reshape(c // 2, h * w))  # [h*w, c//2]
        # _norm: L2-normalize each patch row
        norms = jnp.linalg.norm(l2d, axis=1, keepdims=True)
        l2d_norm = l2d / norms
        cosine = f2d @ jnp.transpose(l2d_norm)                 # [h*w, h*w]
        cosine = jnp.where(is_unmask[None, :], cosine, -jnp.inf)
        attention = jax.nn.softmax(cosine, axis=1)
        shifted = attention @ l2d                              # [h*w, c//2]
        # _paste: keep shifted patches only at masked positions, zeros elsewhere
        fm2d = jnp.where(is_mask[:, None], shifted, jnp.zeros((), dtype=input.dtype))
        former_masked = jnp.transpose(fm2d).reshape(1, c // 2, h, w)
        former_masked = jax.lax.stop_gradient(former_masked)  # .detach() in torch
    return jnp.concatenate([former, latter, former_masked], axis=1)

if __name__ == "__main__":
    import jax
    _d = setup_inputs()
    print(jax.jit(kernel)(*tuple(_d.values())))

</pallas_src>

<mosaic_0001>
#map = affine_map<(d0, d1) -> (0, 0)>
#map1 = affine_map<(d0, d1) -> (0, 0, 0)>
module attributes {stable_mosaic.version = 14 : i64} {
  func.func @_compact_body(%arg0: i32, %arg1: i32, %arg2: memref<9216x128xf32, #tpu.memory_space<hbm>>, %arg3: memref<9216x128xf32, #tpu.memory_space<hbm>>, %arg4: memref<32x3x96xi32, #tpu.memory_space<hbm>>, %arg5: memref<32x3x96xi32, #tpu.memory_space<hbm>>, %arg6: memref<9728x128xf32, #tpu.memory_space<hbm>>, %arg7: memref<9728x128xf32, #tpu.memory_space<hbm>>, %arg8: memref<3x96xi32, #tpu.memory_space<vmem>>, %arg9: memref<3x96xi32, #tpu.memory_space<vmem>>, %arg10: memref<288x128xf32, #tpu.memory_space<vmem>>, %arg11: memref<288x128xf32, #tpu.memory_space<vmem>>, %arg12: memref<!tpu.dma_semaphore, #tpu.memory_space<semaphore_mem>>) attributes {dimension_semantics = [#tpu.dimension_semantics<core_parallel>, #tpu.dimension_semantics<subcore_parallel>], iteration_bounds = array<i64: 2, 16>, scalar_prefetch = 0 : i64, scratch_operands = 5 : i64, tpu.core_type = #tpu.core_type<sc_vector_subcore>, window_params = [{transform_indices = #map}, {transform_indices = #map}, {transform_indices = #map1}, {transform_indices = #map1}, {transform_indices = #map}, {transform_indices = #map}]} {
    %mul3A = arith.constant 2 : i32
    %mul3A_0 = arith.muli %arg1, %mul3A : i32
    %add3A = arith.addi %mul3A_0, %arg0 : i32
    %mul3A_1 = arith.constant 288 : i32
    %mul3A_2 = arith.muli %add3A, %mul3A_1 : i32
    "tpu.region"() ({
      %run_scoped3A = tpu.sem_alloc : memref<!tpu.dma_semaphore, #tpu.memory_space<semaphore_mem>>
      %dma_start3A_121 = arith.constant 0 : i32
      %dma_start3A_122 = arith.constant 0 : i32
      %dma_start3A_123 = tpu.memref_slice %arg4[%add3A, %dma_start3A_121, %dma_start3A_122] : memref<32x3x96xi32, #tpu.memory_space<hbm>> -> memref<1x3x96xi32, #tpu.memory_space<hbm>>
      %dma_start3A_124 = tpu.memref_squeeze %dma_start3A_123 : memref<1x3x96xi32, #tpu.memory_space<hbm>> -> memref<3x96xi32, #tpu.memory_space<hbm>>
      %dma_start3A_125 = arith.constant 0 : i32
      %dma_start3A_126 = arith.constant 0 : i32
      %dma_start3A_127 = tpu.memref_slice %arg4[%add3A, %dma_start3A_125, %dma_start3A_126] : memref<32x3x96xi32, #tpu.memory_space<hbm>> -> memref<1x3x96xi32, #tpu.memory_space<hbm>>
      %dma_start3A_128 = tpu.memref_squeeze %dma_start3A_127 : memref<1x3x96xi32, #tpu.memory_space<hbm>> -> memref<3x96xi32, #tpu.memory_space<hbm>>
      tpu.enqueue_dma source(%dma_start3A_128 : memref<3x96xi32, #tpu.memory_space<hbm>>) target(%arg8 : memref<3x96xi32, #tpu.memory_space<vmem>>) target_semaphore(%run_scoped3A : memref<!tpu.dma_semaphore, #tpu.memory_space<semaphore_mem>>)
      %dma_wait3A_129 = arith.constant 0 : i32
      %dma_wait3A_130 = arith.constant 0 : i32
      %dma_wait3A_131 = tpu.memref_slice %arg4[%add3A, %dma_wait3A_129, %dma_wait3A_130] : memref<32x3x96xi32, #tpu.memory_space<hbm>> -> memref<1x3x96xi32, #tpu.memory_space<hbm>>
      %dma_wait3A_132 = tpu.memref_squeeze %dma_wait3A_131 : memref<1x3x96xi32, #tpu.memory_space<hbm>> -> memref<3x96xi32, #tpu.memory_space<hbm>>
      %dma_wait3A_133 = arith.constant 0 : i32
      %dma_wait3A_134 = arith.constant 0 : i32
      %dma_wait3A_135 = tpu.memref_slice %arg4[%add3A, %dma_wait3A_133, %dma_wait3A_134] : memref<32x3x96xi32, #tpu.memory_space<hbm>> -> memref<1x3x96xi32, #tpu.memory_space<hbm>>
      %dma_wait3A_136 = tpu.memref_squeeze %dma_wait3A_135 : memref<1x3x96xi32, #tpu.memory_space<hbm>> -> memref<3x96xi32, #tpu.memory_space<hbm>>
      tpu.wait_dma2 semaphore(%run_scoped3A : memref<!tpu.dma_semaphore, #tpu.memory_space<semaphore_mem>>) src(%dma_wait3A_136 : memref<3x96xi32, #tpu.memory_space<hbm>>) dst(%arg8 : memref<3x96xi32, #tpu.memory_space<vmem>>)
      tpu.yield
    }) : () -> ()
    "tpu.region"() ({
      %run_scoped3A = tpu.sem_alloc : memref<!tpu.dma_semaphore, #tpu.memory_space<semaphore_mem>>
      %dma_start3A_121 = arith.constant 0 : i32
      %dma_start3A_122 = arith.constant 0 : i32
      %dma_start3A_123 = tpu.memref_slice %arg5[%add3A, %dma_start3A_121, %dma_start3A_122] : memref<32x3x96xi32, #tpu.memory_space<hbm>> -> memref<1x3x96xi32, #tpu.memory_space<hbm>>
      %dma_start3A_124 = tpu.memref_squeeze %dma_start3A_123 : memref<1x3x96xi32, #tpu.memory_space<hbm>> -> memref<3x96xi32, #tpu.memory_space<hbm>>
      %dma_start3A_125 = arith.constant 0 : i32
      %dma_start3A_126 = arith.constant 0 : i32
      %dma_start3A_127 = tpu.memref_slice %arg5[%add3A, %dma_start3A_125, %dma_start3A_126] : memref<32x3x96xi32, #tpu.memory_space<hbm>> -> memref<1x3x96xi32, #tpu.memory_space<hbm>>
      %dma_start3A_128 = tpu.memref_squeeze %dma_start3A_127 : memref<1x3x96xi32, #tpu.memory_space<hbm>> -> memref<3x96xi32, #tpu.memory_space<hbm>>
      tpu.enqueue_dma source(%dma_start3A_128 : memref<3x96xi32, #tpu.memory_space<hbm>>) target(%arg9 : memref<3x96xi32, #tpu.memory_space<vmem>>) target_semaphore(%run_scoped3A : memref<!tpu.dma_semaphore, #tpu.memory_space<semaphore_mem>>)
      %dma_wait3A_129 = arith.constant 0 : i32
      %dma_wait3A_130 = arith.constant 0 : i32
      %dma_wait3A_131 = tpu.memref_slice %arg5[%add3A, %dma_wait3A_129, %dma_wait3A_130] : memref<32x3x96xi32, #tpu.memory_space<hbm>> -> memref<1x3x96xi32, #tpu.memory_space<hbm>>
      %dma_wait3A_132 = tpu.memref_squeeze %dma_wait3A_131 : memref<1x3x96xi32, #tpu.memory_space<hbm>> -> memref<3x96xi32, #tpu.memory_space<hbm>>
      %dma_wait3A_133 = arith.constant 0 : i32
      %dma_wait3A_134 = arith.constant 0 : i32
      %dma_wait3A_135 = tpu.memref_slice %arg5[%add3A, %dma_wait3A_133, %dma_wait3A_134] : memref<32x3x96xi32, #tpu.memory_space<hbm>> -> memref<1x3x96xi32, #tpu.memory_space<hbm>>
      %dma_wait3A_136 = tpu.memref_squeeze %dma_wait3A_135 : memref<1x3x96xi32, #tpu.memory_space<hbm>> -> memref<3x96xi32, #tpu.memory_space<hbm>>
      tpu.wait_dma2 semaphore(%run_scoped3A : memref<!tpu.dma_semaphore, #tpu.memory_space<semaphore_mem>>) src(%dma_wait3A_136 : memref<3x96xi32, #tpu.memory_space<hbm>>) dst(%arg9 : memref<3x96xi32, #tpu.memory_space<vmem>>)
      tpu.yield
    }) : () -> ()
    %dma_start3A = arith.constant 0 : i32
    %dma_start3A_3 = arith.constant 0 : i32
    %dma_start3A_4 = arith.constant 0 : i32
    %dma_start3A_5 = tpu.memref_slice %arg10[%dma_start3A_3, %dma_start3A_4] : memref<288x128xf32, #tpu.memory_space<vmem>> -> memref<96x128xf32, #tpu.memory_space<vmem>>
    %dma_start3A_6 = arith.constant 0 : i32
    %dma_start3A_7 = tpu.memref_slice %arg8[%dma_start3A, %dma_start3A_6] : memref<3x96xi32, #tpu.memory_space<vmem>> -> memref<1x96xi32, #tpu.memory_space<vmem>>
    %dma_start3A_8 = tpu.memref_squeeze %dma_start3A_7 : memref<1x96xi32, #tpu.memory_space<vmem>> -> memref<96xi32, #tpu.memory_space<vmem>>
    %dma_start3A_9 = arith.constant 0 : i32
    %dma_start3A_10 = arith.constant 0 : i32
    %dma_start3A_11 = tpu.memref_slice %arg2[%dma_start3A_9, %dma_start3A_10] : memref<9216x128xf32, #tpu.memory_space<hbm>> -> memref<9216x128xf32, #tpu.memory_space<hbm>>
    tpu.enqueue_indirect_dma source(%dma_start3A_11 : memref<9216x128xf32, #tpu.memory_space<hbm>>) target(%dma_start3A_5 : memref<96x128xf32, #tpu.memory_space<vmem>>) offsets(%dma_start3A_8 : memref<96xi32, #tpu.memory_space<vmem>>) semaphore(%arg12 : memref<!tpu.dma_semaphore, #tpu.memory_space<semaphore_mem>>)
    %dma_start3A_12 = arith.constant 0 : i32
    %dma_start3A_13 = arith.constant 0 : i32
    %dma_start3A_14 = arith.constant 0 : i32
    %dma_start3A_15 = tpu.memref_slice %arg11[%dma_start3A_13, %dma_start3A_14] : memref<288x128xf32, #tpu.memory_space<vmem>> -> memref<96x128xf32, #tpu.memory_space<vmem>>
    %dma_start3A_16 = arith.constant 0 : i32
    %dma_start3A_17 = tpu.memref_slice %arg9[%dma_start3A_12, %dma_start3A_16] : memref<3x96xi32, #tpu.memory_space<vmem>> -> memref<1x96xi32, #tpu.memory_space<vmem>>
    %dma_start3A_18 = tpu.memref_squeeze %dma_start3A_17 : memref<1x96xi32, #tpu.memory_space<vmem>> -> memref<96xi32, #tpu.memory_space<vmem>>
    %dma_start3A_19 = arith.constant 0 : i32
    %dma_start3A_20 = arith.constant 0 : i32
    %dma_start3A_21 = tpu.memref_slice %arg3[%dma_start3A_19, %dma_start3A_20] : memref<9216x128xf32, #tpu.memory_space<hbm>> -> memref<9216x128xf32, #tpu.memory_space<hbm>>
    tpu.enqueue_indirect_dma source(%dma_start3A_21 : memref<9216x128xf32, #tpu.memory_space<hbm>>) target(%dma_start3A_15 : memref<96x128xf32, #tpu.memory_space<vmem>>) offsets(%dma_start3A_18 : memref<96xi32, #tpu.memory_space<vmem>>) semaphore(%arg12 : memref<!tpu.dma_semaphore, #tpu.memory_space<semaphore_mem>>)
    %dma_start3A_22 = arith.constant 1 : i32
    %dma_start3A_23 = arith.constant 96 : i32
    %dma_start3A_24 = arith.constant 0 : i32
    %dma_start3A_25 = tpu.memref_slice %arg10[%dma_start3A_23, %dma_start3A_24] : memref<288x128xf32, #tpu.memory_space<vmem>> -> memref<96x128xf32, #tpu.memory_space<vmem>>
    %dma_start3A_26 = arith.constant 0 : i32
    %dma_start3A_27 = tpu.memref_slice %arg8[%dma_start3A_22, %dma_start3A_26] : memref<3x96xi32, #tpu.memory_space<vmem>> -> memref<1x96xi32, #tpu.memory_space<vmem>>
    %dma_start3A_28 = tpu.memref_squeeze %dma_start3A_27 : memref<1x96xi32, #tpu.memory_space<vmem>> -> memref<96xi32, #tpu.memory_space<vmem>>
    %dma_start3A_29 = arith.constant 0 : i32
    %dma_start3A_30 = arith.constant 0 : i32
    %dma_start3A_31 = tpu.memref_slice %arg2[%dma_start3A_29, %dma_start3A_30] : memref<9216x128xf32, #tpu.memory_space<hbm>> -> memref<9216x128xf32, #tpu.memory_space<hbm>>
    tpu.enqueue_indirect_dma source(%dma_start3A_31 : memref<9216x128xf32, #tpu.memory_space<hbm>>) target(%dma_start3A_25 : memref<96x128xf32, #tpu.memory_space<vmem>>) offsets(%dma_start3A_28 : memref<96xi32, #tpu.memory_space<vmem>>) semaphore(%arg12 : memref<!tpu.dma_semaphore, #tpu.memory_space<semaphore_mem>>)
    %dma_start3A_32 = arith.constant 1 : i32
    %dma_start3A_33 = arith.constant 96 : i32
    %dma_start3A_34 = arith.constant 0 : i32
    %dma_start3A_35 = tpu.memref_slice %arg11[%dma_start3A_33, %dma_start3A_34] : memref<288x128xf32, #tpu.memory_space<vmem>> -> memref<96x128xf32, #tpu.memory_space<vmem>>
    %dma_start3A_36 = arith.constant 0 : i32
    %dma_start3A_37 = tpu.memref_slice %arg9[%dma_start3A_32, %dma_start3A_36] : memref<3x96xi32, #tpu.memory_space<vmem>> -> memref<1x96xi32, #tpu.memory_space<vmem>>
    %dma_start3A_38 = tpu.memref_squeeze %dma_start3A_37 : memref<1x96xi32, #tpu.memory_space<vmem>> -> memref<96xi32, #tpu.memory_space<vmem>>
    %dma_start3A_39 = arith.constant 0 : i32
    %dma_start3A_40 = arith.constant 0 : i32
    %dma_start3A_41 = tpu.memref_slice %arg3[%dma_start3A_39, %dma_start3A_40] : memref<9216x128xf32, #tpu.memory_space<hbm>> -> memref<9216x128xf32, #tpu.memory_space<hbm>>
    tpu.enqueue_indirect_dma source(%dma_start3A_41 : memref<9216x128xf32, #tpu.memory_space<hbm>>) target(%dma_start3A_35 : memref<96x128xf32, #tpu.memory_space<vmem>>) offsets(%dma_start3A_38 : memref<96xi32, #tpu.memory_space<vmem>>) semaphore(%arg12 : memref<!tpu.dma_semaphore, #tpu.memory_space<semaphore_mem>>)
    %dma_start3A_42 = arith.constant 2 : i32
    %dma_start3A_43 = arith.constant 192 : i32
    %dma_start3A_44 = arith.constant 0 : i32
    %dma_start3A_45 = tpu.memref_slice %arg10[%dma_start3A_43, %dma_start3A_44] : memref<288x128xf32, #tpu.memory_space<vmem>> -> memref<96x128xf32, #tpu.memory_space<vmem>>
    %dma_start3A_46 = arith.constant 0 : i32
    %dma_start3A_47 = tpu.memref_slice %arg8[%dma_start3A_42, %dma_start3A_46] : memref<3x96xi32, #tpu.memory_space<vmem>> -> memref<1x96xi32, #tpu.memory_space<vmem>>
    %dma_start3A_48 = tpu.memref_squeeze %dma_start3A_47 : memref<1x96xi32, #tpu.memory_space<vmem>> -> memref<96xi32, #tpu.memory_space<vmem>>
    %dma_start3A_49 = arith.constant 0 : i32
    %dma_start3A_50 = arith.constant 0 : i32
    %dma_start3A_51 = tpu.memref_slice %arg2[%dma_start3A_49, %dma_start3A_50] : memref<9216x128xf32, #tpu.memory_space<hbm>> -> memref<9216x128xf32, #tpu.memory_space<hbm>>
    tpu.enqueue_indirect_dma source(%dma_start3A_51 : memref<9216x128xf32, #tpu.memory_space<hbm>>) target(%dma_start3A_45 : memref<96x128xf32, #tpu.memory_space<vmem>>) offsets(%dma_start3A_48 : memref<96xi32, #tpu.memory_space<vmem>>) semaphore(%arg12 : memref<!tpu.dma_semaphore, #tpu.memory_space<semaphore_mem>>)
    %dma_start3A_52 = arith.constant 2 : i32
    %dma_start3A_53 = arith.constant 192 : i32
    %dma_start3A_54 = arith.constant 0 : i32
    %dma_start3A_55 = tpu.memref_slice %arg11[%dma_start3A_53, %dma_start3A_54] : memref<288x128xf32, #tpu.memory_space<vmem>> -> memref<96x128xf32, #tpu.memory_space<vmem>>
    %dma_start3A_56 = arith.constant 0 : i32
    %dma_start3A_57 = tpu.memref_slice %arg9[%dma_start3A_52, %dma_start3A_56] : memref<3x96xi32, #tpu.memory_space<vmem>> -> memref<1x96xi32, #tpu.memory_space<vmem>>
    %dma_start3A_58 = tpu.memref_squeeze %dma_start3A_57 : memref<1x96xi32, #tpu.memory_space<vmem>> -> memref<96xi32, #tpu.memory_space<vmem>>
    %dma_start3A_59 = arith.constant 0 : i32
    %dma_start3A_60 = arith.constant 0 : i32
    %dma_start3A_61 = tpu.memref_slice %arg3[%dma_start3A_59, %dma_start3A_60] : memref<9216x128xf32, #tpu.memory_space<hbm>> -> memref<9216x128xf32, #tpu.memory_space<hbm>>
    tpu.enqueue_indirect_dma source(%dma_start3A_61 : memref<9216x128xf32, #tpu.memory_space<hbm>>) target(%dma_start3A_55 : memref<96x128xf32, #tpu.memory_space<vmem>>) offsets(%dma_start3A_58 : memref<96xi32, #tpu.memory_space<vmem>>) semaphore(%arg12 : memref<!tpu.dma_semaphore, #tpu.memory_space<semaphore_mem>>)
    %dma_wait3A = arith.constant 0 : i32
    %dma_wait3A_62 = arith.constant 0 : i32
    %dma_wait3A_63 = arith.constant 0 : i32
    %dma_wait3A_64 = tpu.memref_slice %arg10[%dma_wait3A_62, %dma_wait3A_63] : memref<288x128xf32, #tpu.memory_space<vmem>> -> memref<96x128xf32, #tpu.memory_space<vmem>>
    %dma_wait3A_65 = arith.constant 0 : i32
    %dma_wait3A_66 = tpu.memref_slice %arg8[%dma_wait3A, %dma_wait3A_65] : memref<3x96xi32, #tpu.memory_space<vmem>> -> memref<1x96xi32, #tpu.memory_space<vmem>>
    %dma_wait3A_67 = tpu.memref_squeeze %dma_wait3A_66 : memref<1x96xi32, #tpu.memory_space<vmem>> -> memref<96xi32, #tpu.memory_space<vmem>>
    %dma_wait3A_68 = arith.constant 0 : i32
    %dma_wait3A_69 = arith.constant 0 : i32
    %dma_wait3A_70 = tpu.memref_slice %arg2[%dma_wait3A_68, %dma_wait3A_69] : memref<9216x128xf32, #tpu.memory_space<hbm>> -> memref<9216x128xf32, #tpu.memory_space<hbm>>
    tpu.wait_indirect_dma semaphore(%arg12 : memref<!tpu.dma_semaphore, #tpu.memory_space<semaphore_mem>>) src(%dma_wait3A_70 : memref<9216x128xf32, #tpu.memory_space<hbm>>) dst(%dma_wait3A_64 : memref<96x128xf32, #tpu.memory_space<vmem>>)
    %dma_wait3A_71 = arith.constant 0 : i32
    %dma_wait3A_72 = arith.constant 0 : i32
    %dma_wait3A_73 = arith.constant 0 : i32
    %dma_wait3A_74 = tpu.memref_slice %arg11[%dma_wait3A_72, %dma_wait3A_73] : memref<288x128xf32, #tpu.memory_space<vmem>> -> memref<96x128xf32, #tpu.memory_space<vmem>>
    %dma_wait3A_75 = arith.constant 0 : i32
    %dma_wait3A_76 = tpu.memref_slice %arg9[%dma_wait3A_71, %dma_wait3A_75] : memref<3x96xi32, #tpu.memory_space<vmem>> -> memref<1x96xi32, #tpu.memory_space<vmem>>
    %dma_wait3A_77 = tpu.memref_squeeze %dma_wait3A_76 : memref<1x96xi32, #tpu.memory_space<vmem>> -> memref<96xi32, #tpu.memory_space<vmem>>
    %dma_wait3A_78 = arith.constant 0 : i32
    %dma_wait3A_79 = arith.constant 0 : i32
    %dma_wait3A_80 = tpu.memref_slice %arg3[%dma_wait3A_78, %dma_wait3A_79] : memref<9216x128xf32, #tpu.memory_space<hbm>> -> memref<9216x128xf32, #tpu.memory_space<hbm>>
    tpu.wait_indirect_dma semaphore(%arg12 : memref<!tpu.dma_semaphore, #tpu.memory_space<semaphore_mem>>) src(%dma_wait3A_80 : memref<9216x128xf32, #tpu.memory_space<hbm>>) dst(%dma_wait3A_74 : memref<96x128xf32, #tpu.memory_space<vmem>>)
    %dma_wait3A_81 = arith.constant 1 : i32
    %dma_wait3A_82 = arith.constant 96 : i32
    %dma_wait3A_83 = arith.constant 0 : i32
    %dma_wait3A_84 = tpu.memref_slice %arg10[%dma_wait3A_82, %dma_wait3A_83] : memref<288x128xf32, #tpu.memory_space<vmem>> -> memref<96x128xf32, #tpu.memory_space<vmem>>
    %dma_wait3A_85 = arith.constant 0 : i32
    %dma_wait3A_86 = tpu.memref_slice %arg8[%dma_wait3A_81, %dma_wait3A_85] : memref<3x96xi32, #tpu.memory_space<vmem>> -> memref<1x96xi32, #tpu.memory_space<vmem>>
    %dma_wait3A_87 = tpu.memref_squeeze %dma_wait3A_86 : memref<1x96xi32, #tpu.memory_space<vmem>> -> memref<96xi32, #tpu.memory_space<vmem>>
    %dma_wait3A_88 = arith.constant 0 : i32
    %dma_wait3A_89 = arith.constant 0 : i32
    %dma_wait3A_90 = tpu.memref_slice %arg2[%dma_wait3A_88, %dma_wait3A_89] : memref<9216x128xf32, #tpu.memory_space<hbm>> -> memref<9216x128xf32, #tpu.memory_space<hbm>>
    tpu.wait_indirect_dma semaphore(%arg12 : memref<!tpu.dma_semaphore, #tpu.memory_space<semaphore_mem>>) src(%dma_wait3A_90 : memref<9216x128xf32, #tpu.memory_space<hbm>>) dst(%dma_wait3A_84 : memref<96x128xf32, #tpu.memory_space<vmem>>)
    %dma_wait3A_91 = arith.constant 1 : i32
    %dma_wait3A_92 = arith.constant 96 : i32
    %dma_wait3A_93 = arith.constant 0 : i32
    %dma_wait3A_94 = tpu.memref_slice %arg11[%dma_wait3A_92, %dma_wait3A_93] : memref<288x128xf32, #tpu.memory_space<vmem>> -> memref<96x128xf32, #tpu.memory_space<vmem>>
    %dma_wait3A_95 = arith.constant 0 : i32
    %dma_wait3A_96 = tpu.memref_slice %arg9[%dma_wait3A_91, %dma_wait3A_95] : memref<3x96xi32, #tpu.memory_space<vmem>> -> memref<1x96xi32, #tpu.memory_space<vmem>>
    %dma_wait3A_97 = tpu.memref_squeeze %dma_wait3A_96 : memref<1x96xi32, #tpu.memory_space<vmem>> -> memref<96xi32, #tpu.memory_space<vmem>>
    %dma_wait3A_98 = arith.constant 0 : i32
    %dma_wait3A_99 = arith.constant 0 : i32
    %dma_wait3A_100 = tpu.memref_slice %arg3[%dma_wait3A_98, %dma_wait3A_99] : memref<9216x128xf32, #tpu.memory_space<hbm>> -> memref<9216x128xf32, #tpu.memory_space<hbm>>
    tpu.wait_indirect_dma semaphore(%arg12 : memref<!tpu.dma_semaphore, #tpu.memory_space<semaphore_mem>>) src(%dma_wait3A_100 : memref<9216x128xf32, #tpu.memory_space<hbm>>) dst(%dma_wait3A_94 : memref<96x128xf32, #tpu.memory_space<vmem>>)
    %dma_wait3A_101 = arith.constant 2 : i32
    %dma_wait3A_102 = arith.constant 192 : i32
    %dma_wait3A_103 = arith.constant 0 : i32
    %dma_wait3A_104 = tpu.memref_slice %arg10[%dma_wait3A_102, %dma_wait3A_103] : memref<288x128xf32, #tpu.memory_space<vmem>> -> memref<96x128xf32, #tpu.memory_space<vmem>>
    %dma_wait3A_105 = arith.constant 0 : i32
    %dma_wait3A_106 = tpu.memref_slice %arg8[%dma_wait3A_101, %dma_wait3A_105] : memref<3x96xi32, #tpu.memory_space<vmem>> -> memref<1x96xi32, #tpu.memory_space<vmem>>
    %dma_wait3A_107 = tpu.memref_squeeze %dma_wait3A_106 : memref<1x96xi32, #tpu.memory_space<vmem>> -> memref<96xi32, #tpu.memory_space<vmem>>
    %dma_wait3A_108 = arith.constant 0 : i32
    %dma_wait3A_109 = arith.constant 0 : i32
    %dma_wait3A_110 = tpu.memref_slice %arg2[%dma_wait3A_108, %dma_wait3A_109] : memref<9216x128xf32, #tpu.memory_space<hbm>> -> memref<9216x128xf32, #tpu.memory_space<hbm>>
    tpu.wait_indirect_dma semaphore(%arg12 : memref<!tpu.dma_semaphore, #tpu.memory_space<semaphore_mem>>) src(%dma_wait3A_110 : memref<9216x128xf32, #tpu.memory_space<hbm>>) dst(%dma_wait3A_104 : memref<96x128xf32, #tpu.memory_space<vmem>>)
    %dma_wait3A_111 = arith.constant 2 : i32
    %dma_wait3A_112 = arith.constant 192 : i32
    %dma_wait3A_113 = arith.constant 0 : i32
    %dma_wait3A_114 = tpu.memref_slice %arg11[%dma_wait3A_112, %dma_wait3A_113] : memref<288x128xf32, #tpu.memory_space<vmem>> -> memref<96x128xf32, #tpu.memory_space<vmem>>
    %dma_wait3A_115 = arith.constant 0 : i32
    %dma_wait3A_116 = tpu.memref_slice %arg9[%dma_wait3A_111, %dma_wait3A_115] : memref<3x96xi32, #tpu.memory_space<vmem>> -> memref<1x96xi32, #tpu.memory_space<vmem>>
    %dma_wait3A_117 = tpu.memref_squeeze %dma_wait3A_116 : memref<1x96xi32, #tpu.memory_space<vmem>> -> memref<96xi32, #tpu.memory_space<vmem>>
    %dma_wait3A_118 = arith.constant 0 : i32
    %dma_wait3A_119 = arith.constant 0 : i32
    %dma_wait3A_120 = tpu.memref_slice %arg3[%dma_wait3A_118, %dma_wait3A_119] : memref<9216x128xf32, #tpu.memory_space<hbm>> -> memref<9216x128xf32, #tpu.memory_space<hbm>>
    tpu.wait_indirect_dma semaphore(%arg12 : memref<!tpu.dma_semaphore, #tpu.memory_space<semaphore_mem>>) src(%dma_wait3A_120 : memref<9216x128xf32, #tpu.memory_space<hbm>>) dst(%dma_wait3A_114 : memref<96x128xf32, #tpu.memory_space<vmem>>)
    "tpu.region"() ({
      %run_scoped3A = tpu.sem_alloc : memref<!tpu.dma_semaphore, #tpu.memory_space<semaphore_mem>>
      %dma_start3A_121 = arith.constant 0 : i32
      %dma_start3A_122 = tpu.memref_slice %arg6[%mul3A_2, %dma_start3A_121] : memref<9728x128xf32, #tpu.memory_space<hbm>> -> memref<288x128xf32, #tpu.memory_space<hbm>>
      %dma_start3A_123 = arith.constant 0 : i32
      %dma_start3A_124 = tpu.memref_slice %arg6[%mul3A_2, %dma_start3A_123] : memref<9728x128xf32, #tpu.memory_space<hbm>> -> memref<288x128xf32, #tpu.memory_space<hbm>>
      tpu.enqueue_dma source(%arg10 : memref<288x128xf32, #tpu.memory_space<vmem>>) target(%dma_start3A_124 : memref<288x128xf32, #tpu.memory_space<hbm>>) target_semaphore(%run_scoped3A : memref<!tpu.dma_semaphore, #tpu.memory_space<semaphore_mem>>)
      %dma_wait3A_125 = arith.constant 0 : i32
      %dma_wait3A_126 = tpu.memref_slice %arg6[%mul3A_2, %dma_wait3A_125] : memref<9728x128xf32, #tpu.memory_space<hbm>> -> memref<288x128xf32, #tpu.memory_space<hbm>>
      %dma_wait3A_127 = arith.constant 0 : i32
      %dma_wait3A_128 = tpu.memref_slice %arg6[%mul3A_2, %dma_wait3A_127] : memref<9728x128xf32, #tpu.memory_space<hbm>> -> memref<288x128xf32, #tpu.memory_space<hbm>>
      tpu.wait_dma2 semaphore(%run_scoped3A : memref<!tpu.dma_semaphore, #tpu.memory_space<semaphore_mem>>) src(%arg10 : memref<288x128xf32, #tpu.memory_space<vmem>>) dst(%dma_wait3A_128 : memref<288x128xf32, #tpu.memory_space<hbm>>)
      tpu.yield
    }) : () -> ()
    "tpu.region"() ({
      %run_scoped3A = tpu.sem_alloc : memref<!tpu.dma_semaphore, #tpu.memory_space<semaphore_mem>>
      %dma_start3A_121 = arith.constant 0 : i32
      %dma_start3A_122 = tpu.memref_slice %arg7[%mul3A_2, %dma_start3A_121] : memref<9728x128xf32, #tpu.memory_space<hbm>> -> memref<288x128xf32, #tpu.memory_space<hbm>>
      %dma_start3A_123 = arith.constant 0 : i32
      %dma_start3A_124 = tpu.memref_slice %arg7[%mul3A_2, %dma_start3A_123] : memref<9728x128xf32, #tpu.memory_space<hbm>> -> memref<288x128xf32, #tpu.memory_space<hbm>>
      tpu.enqueue_dma source(%arg11 : memref<288x128xf32, #tpu.memory_space<vmem>>) target(%dma_start3A_124 : memref<288x128xf32, #tpu.memory_space<hbm>>) target_semaphore(%run_scoped3A : memref<!tpu.dma_semaphore, #tpu.memory_space<semaphore_mem>>)
      %dma_wait3A_125 = arith.constant 0 : i32
      %dma_wait3A_126 = tpu.memref_slice %arg7[%mul3A_2, %dma_wait3A_125] : memref<9728x128xf32, #tpu.memory_space<hbm>> -> memref<288x128xf32, #tpu.memory_space<hbm>>
      %dma_wait3A_127 = arith.constant 0 : i32
      %dma_wait3A_128 = tpu.memref_slice %arg7[%mul3A_2, %dma_wait3A_127] : memref<9728x128xf32, #tpu.memory_space<hbm>> -> memref<288x128xf32, #tpu.memory_space<hbm>>
      tpu.wait_dma2 semaphore(%run_scoped3A : memref<!tpu.dma_semaphore, #tpu.memory_space<semaphore_mem>>) src(%arg11 : memref<288x128xf32, #tpu.memory_space<vmem>>) dst(%dma_wait3A_128 : memref<288x128xf32, #tpu.memory_space<hbm>>)
      tpu.yield
    }) : () -> ()
    return
  }
}

#map = affine_map<(d0, d1) -> (0, 0)>
#map1 = affine_map<(d0, d1) -> (0, 0, 0)>
module attributes {stable_mosaic.version = 14 : i64} {
  func.func @_paste_body(%arg0: i32, %arg1: i32, %arg2: memref<9728x128xf32, #tpu.memory_space<hbm>>, %arg3: memref<32x3x96xi32, #tpu.memory_space<hbm>>, %arg4: memref<9216x128xf32, #tpu.memory_space<hbm>>, %arg5: memref<3x96xi32, #tpu.memory_space<vmem>>, %arg6: memref<288x128xf32, #tpu.memory_space<vmem>>, %arg7: memref<!tpu.dma_semaphore, #tpu.memory_space<semaphore_mem>>) attributes {dimension_semantics = [#tpu.dimension_semantics<core_parallel>, #tpu.dimension_semantics<subcore_parallel>], iteration_bounds = array<i64: 2, 16>, scalar_prefetch = 0 : i64, scratch_operands = 3 : i64, tpu.core_type = #tpu.core_type<sc_vector_subcore>, window_params = [{transform_indices = #map}, {transform_indices = #map1}, {transform_indices = #map}]} {
    %mul3A = arith.constant 2 : i32
    %mul3A_0 = arith.muli %arg1, %mul3A : i32
    %add3A = arith.addi %mul3A_0, %arg0 : i32
    %mul3A_1 = arith.constant 288 : i32
    %mul3A_2 = arith.muli %add3A, %mul3A_1 : i32
    "tpu.region"() ({
      %run_scoped3A = tpu.sem_alloc : memref<!tpu.dma_semaphore, #tpu.memory_space<semaphore_mem>>
      %dma_start3A_61 = arith.constant 0 : i32
      %dma_start3A_62 = arith.constant 0 : i32
      %dma_start3A_63 = tpu.memref_slice %arg3[%add3A, %dma_start3A_61, %dma_start3A_62] : memref<32x3x96xi32, #tpu.memory_space<hbm>> -> memref<1x3x96xi32, #tpu.memory_space<hbm>>
      %dma_start3A_64 = tpu.memref_squeeze %dma_start3A_63 : memref<1x3x96xi32, #tpu.memory_space<hbm>> -> memref<3x96xi32, #tpu.memory_space<hbm>>
      %dma_start3A_65 = arith.constant 0 : i32
      %dma_start3A_66 = arith.constant 0 : i32
      %dma_start3A_67 = tpu.memref_slice %arg3[%add3A, %dma_start3A_65, %dma_start3A_66] : memref<32x3x96xi32, #tpu.memory_space<hbm>> -> memref<1x3x96xi32, #tpu.memory_space<hbm>>
      %dma_start3A_68 = tpu.memref_squeeze %dma_start3A_67 : memref<1x3x96xi32, #tpu.memory_space<hbm>> -> memref<3x96xi32, #tpu.memory_space<hbm>>
      tpu.enqueue_dma source(%dma_start3A_68 : memref<3x96xi32, #tpu.memory_space<hbm>>) target(%arg5 : memref<3x96xi32, #tpu.memory_space<vmem>>) target_semaphore(%run_scoped3A : memref<!tpu.dma_semaphore, #tpu.memory_space<semaphore_mem>>)
      %dma_wait3A_69 = arith.constant 0 : i32
      %dma_wait3A_70 = arith.constant 0 : i32
      %dma_wait3A_71 = tpu.memref_slice %arg3[%add3A, %dma_wait3A_69, %dma_wait3A_70] : memref<32x3x96xi32, #tpu.memory_space<hbm>> -> memref<1x3x96xi32, #tpu.memory_space<hbm>>
      %dma_wait3A_72 = tpu.memref_squeeze %dma_wait3A_71 : memref<1x3x96xi32, #tpu.memory_space<hbm>> -> memref<3x96xi32, #tpu.memory_space<hbm>>
      %dma_wait3A_73 = arith.constant 0 : i32
      %dma_wait3A_74 = arith.constant 0 : i32
      %dma_wait3A_75 = tpu.memref_slice %arg3[%add3A, %dma_wait3A_73, %dma_wait3A_74] : memref<32x3x96xi32, #tpu.memory_space<hbm>> -> memref<1x3x96xi32, #tpu.memory_space<hbm>>
      %dma_wait3A_76 = tpu.memref_squeeze %dma_wait3A_75 : memref<1x3x96xi32, #tpu.memory_space<hbm>> -> memref<3x96xi32, #tpu.memory_space<hbm>>
      tpu.wait_dma2 semaphore(%run_scoped3A : memref<!tpu.dma_semaphore, #tpu.memory_space<semaphore_mem>>) src(%dma_wait3A_76 : memref<3x96xi32, #tpu.memory_space<hbm>>) dst(%arg5 : memref<3x96xi32, #tpu.memory_space<vmem>>)
      tpu.yield
    }) : () -> ()
    %dma_start3A = arith.constant 0 : i32
    %dma_start3A_3 = arith.constant 0 : i32
    %dma_start3A_4 = arith.constant 0 : i32
    %dma_start3A_5 = tpu.memref_slice %arg6[%dma_start3A_3, %dma_start3A_4] : memref<288x128xf32, #tpu.memory_space<vmem>> -> memref<96x128xf32, #tpu.memory_space<vmem>>
    %dma_start3A_6 = arith.constant 0 : i32
    %dma_start3A_7 = tpu.memref_slice %arg5[%dma_start3A, %dma_start3A_6] : memref<3x96xi32, #tpu.memory_space<vmem>> -> memref<1x96xi32, #tpu.memory_space<vmem>>
    %dma_start3A_8 = tpu.memref_squeeze %dma_start3A_7 : memref<1x96xi32, #tpu.memory_space<vmem>> -> memref<96xi32, #tpu.memory_space<vmem>>
    %dma_start3A_9 = arith.constant 0 : i32
    %dma_start3A_10 = arith.constant 0 : i32
    %dma_start3A_11 = tpu.memref_slice %arg2[%dma_start3A_9, %dma_start3A_10] : memref<9728x128xf32, #tpu.memory_space<hbm>> -> memref<9728x128xf32, #tpu.memory_space<hbm>>
    tpu.enqueue_indirect_dma source(%dma_start3A_11 : memref<9728x128xf32, #tpu.memory_space<hbm>>) target(%dma_start3A_5 : memref<96x128xf32, #tpu.memory_space<vmem>>) offsets(%dma_start3A_8 : memref<96xi32, #tpu.memory_space<vmem>>) semaphore(%arg7 : memref<!tpu.dma_semaphore, #tpu.memory_space<semaphore_mem>>)
    %dma_start3A_12 = arith.constant 1 : i32
    %dma_start3A_13 = arith.constant 96 : i32
    %dma_start3A_14 = arith.constant 0 : i32
    %dma_start3A_15 = tpu.memref_slice %arg6[%dma_start3A_13, %dma_start3A_14] : memref<288x128xf32, #tpu.memory_space<vmem>> -> memref<96x128xf32, #tpu.memory_space<vmem>>
    %dma_start3A_16 = arith.constant 0 : i32
    %dma_start3A_17 = tpu.memref_slice %arg5[%dma_start3A_12, %dma_start3A_16] : memref<3x96xi32, #tpu.memory_space<vmem>> -> memref<1x96xi32, #tpu.memory_space<vmem>>
    %dma_start3A_18 = tpu.memref_squeeze %dma_start3A_17 : memref<1x96xi32, #tpu.memory_space<vmem>> -> memref<96xi32, #tpu.memory_space<vmem>>
    %dma_start3A_19 = arith.constant 0 : i32
    %dma_start3A_20 = arith.constant 0 : i32
    %dma_start3A_21 = tpu.memref_slice %arg2[%dma_start3A_19, %dma_start3A_20] : memref<9728x128xf32, #tpu.memory_space<hbm>> -> memref<9728x128xf32, #tpu.memory_space<hbm>>
    tpu.enqueue_indirect_dma source(%dma_start3A_21 : memref<9728x128xf32, #tpu.memory_space<hbm>>) target(%dma_start3A_15 : memref<96x128xf32, #tpu.memory_space<vmem>>) offsets(%dma_start3A_18 : memref<96xi32, #tpu.memory_space<vmem>>) semaphore(%arg7 : memref<!tpu.dma_semaphore, #tpu.memory_space<semaphore_mem>>)
    %dma_start3A_22 = arith.constant 2 : i32
    %dma_start3A_23 = arith.constant 192 : i32
    %dma_start3A_24 = arith.constant 0 : i32
    %dma_start3A_25 = tpu.memref_slice %arg6[%dma_start3A_23, %dma_start3A_24] : memref<288x128xf32, #tpu.memory_space<vmem>> -> memref<96x128xf32, #tpu.memory_space<vmem>>
    %dma_start3A_26 = arith.constant 0 : i32
    %dma_start3A_27 = tpu.memref_slice %arg5[%dma_start3A_22, %dma_start3A_26] : memref<3x96xi32, #tpu.memory_space<vmem>> -> memref<1x96xi32, #tpu.memory_space<vmem>>
    %dma_start3A_28 = tpu.memref_squeeze %dma_start3A_27 : memref<1x96xi32, #tpu.memory_space<vmem>> -> memref<96xi32, #tpu.memory_space<vmem>>
    %dma_start3A_29 = arith.constant 0 : i32
    %dma_start3A_30 = arith.constant 0 : i32
    %dma_start3A_31 = tpu.memref_slice %arg2[%dma_start3A_29, %dma_start3A_30] : memref<9728x128xf32, #tpu.memory_space<hbm>> -> memref<9728x128xf32, #tpu.memory_space<hbm>>
    tpu.enqueue_indirect_dma source(%dma_start3A_31 : memref<9728x128xf32, #tpu.memory_space<hbm>>) target(%dma_start3A_25 : memref<96x128xf32, #tpu.memory_space<vmem>>) offsets(%dma_start3A_28 : memref<96xi32, #tpu.memory_space<vmem>>) semaphore(%arg7 : memref<!tpu.dma_semaphore, #tpu.memory_space<semaphore_mem>>)
    %dma_wait3A = arith.constant 0 : i32
    %dma_wait3A_32 = arith.constant 0 : i32
    %dma_wait3A_33 = arith.constant 0 : i32
    %dma_wait3A_34 = tpu.memref_slice %arg6[%dma_wait3A_32, %dma_wait3A_33] : memref<288x128xf32, #tpu.memory_space<vmem>> -> memref<96x128xf32, #tpu.memory_space<vmem>>
    %dma_wait3A_35 = arith.constant 0 : i32
    %dma_wait3A_36 = tpu.memref_slice %arg5[%dma_wait3A, %dma_wait3A_35] : memref<3x96xi32, #tpu.memory_space<vmem>> -> memref<1x96xi32, #tpu.memory_space<vmem>>
    %dma_wait3A_37 = tpu.memref_squeeze %dma_wait3A_36 : memref<1x96xi32, #tpu.memory_space<vmem>> -> memref<96xi32, #tpu.memory_space<vmem>>
    %dma_wait3A_38 = arith.constant 0 : i32
    %dma_wait3A_39 = arith.constant 0 : i32
    %dma_wait3A_40 = tpu.memref_slice %arg2[%dma_wait3A_38, %dma_wait3A_39] : memref<9728x128xf32, #tpu.memory_space<hbm>> -> memref<9728x128xf32, #tpu.memory_space<hbm>>
    tpu.wait_indirect_dma semaphore(%arg7 : memref<!tpu.dma_semaphore, #tpu.memory_space<semaphore_mem>>) src(%dma_wait3A_40 : memref<9728x128xf32, #tpu.memory_space<hbm>>) dst(%dma_wait3A_34 : memref<96x128xf32, #tpu.memory_space<vmem>>)
    %dma_wait3A_41 = arith.constant 1 : i32
    %dma_wait3A_42 = arith.constant 96 : i32
    %dma_wait3A_43 = arith.constant 0 : i32
    %dma_wait3A_44 = tpu.memref_slice %arg6[%dma_wait3A_42, %dma_wait3A_43] : memref<288x128xf32, #tpu.memory_space<vmem>> -> memref<96x128xf32, #tpu.memory_space<vmem>>
    %dma_wait3A_45 = arith.constant 0 : i32
    %dma_wait3A_46 = tpu.memref_slice %arg5[%dma_wait3A_41, %dma_wait3A_45] : memref<3x96xi32, #tpu.memory_space<vmem>> -> memref<1x96xi32, #tpu.memory_space<vmem>>
    %dma_wait3A_47 = tpu.memref_squeeze %dma_wait3A_46 : memref<1x96xi32, #tpu.memory_space<vmem>> -> memref<96xi32, #tpu.memory_space<vmem>>
    %dma_wait3A_48 = arith.constant 0 : i32
    %dma_wait3A_49 = arith.constant 0 : i32
    %dma_wait3A_50 = tpu.memref_slice %arg2[%dma_wait3A_48, %dma_wait3A_49] : memref<9728x128xf32, #tpu.memory_space<hbm>> -> memref<9728x128xf32, #tpu.memory_space<hbm>>
    tpu.wait_indirect_dma semaphore(%arg7 : memref<!tpu.dma_semaphore, #tpu.memory_space<semaphore_mem>>) src(%dma_wait3A_50 : memref<9728x128xf32, #tpu.memory_space<hbm>>) dst(%dma_wait3A_44 : memref<96x128xf32, #tpu.memory_space<vmem>>)
    %dma_wait3A_51 = arith.constant 2 : i32
    %dma_wait3A_52 = arith.constant 192 : i32
    %dma_wait3A_53 = arith.constant 0 : i32
    %dma_wait3A_54 = tpu.memref_slice %arg6[%dma_wait3A_52, %dma_wait3A_53] : memref<288x128xf32, #tpu.memory_space<vmem>> -> memref<96x128xf32, #tpu.memory_space<vmem>>
    %dma_wait3A_55 = arith.constant 0 : i32
    %dma_wait3A_56 = tpu.memref_slice %arg5[%dma_wait3A_51, %dma_wait3A_55] : memref<3x96xi32, #tpu.memory_space<vmem>> -> memref<1x96xi32, #tpu.memory_space<vmem>>
    %dma_wait3A_57 = tpu.memref_squeeze %dma_wait3A_56 : memref<1x96xi32, #tpu.memory_space<vmem>> -> memref<96xi32, #tpu.memory_space<vmem>>
    %dma_wait3A_58 = arith.constant 0 : i32
    %dma_wait3A_59 = arith.constant 0 : i32
    %dma_wait3A_60 = tpu.memref_slice %arg2[%dma_wait3A_58, %dma_wait3A_59] : memref<9728x128xf32, #tpu.memory_space<hbm>> -> memref<9728x128xf32, #tpu.memory_space<hbm>>
    tpu.wait_indirect_dma semaphore(%arg7 : memref<!tpu.dma_semaphore, #tpu.memory_space<semaphore_mem>>) src(%dma_wait3A_60 : memref<9728x128xf32, #tpu.memory_space<hbm>>) dst(%dma_wait3A_54 : memref<96x128xf32, #tpu.memory_space<vmem>>)
    "tpu.region"() ({
      %run_scoped3A = tpu.sem_alloc : memref<!tpu.dma_semaphore, #tpu.memory_space<semaphore_mem>>
      %dma_start3A_61 = arith.constant 0 : i32
      %dma_start3A_62 = tpu.memref_slice %arg4[%mul3A_2, %dma_start3A_61] : memref<9216x128xf32, #tpu.memory_space<hbm>> -> memref<288x128xf32, #tpu.memory_space<hbm>>
      %dma_start3A_63 = arith.constant 0 : i32
      %dma_start3A_64 = tpu.memref_slice %arg4[%mul3A_2, %dma_start3A_63] : memref<9216x128xf32, #tpu.memory_space<hbm>> -> memref<288x128xf32, #tpu.memory_space<hbm>>
      tpu.enqueue_dma source(%arg6 : memref<288x128xf32, #tpu.memory_space<vmem>>) target(%dma_start3A_64 : memref<288x128xf32, #tpu.memory_space<hbm>>) target_semaphore(%run_scoped3A : memref<!tpu.dma_semaphore, #tpu.memory_space<semaphore_mem>>)
      %dma_wait3A_65 = arith.constant 0 : i32
      %dma_wait3A_66 = tpu.memref_slice %arg4[%mul3A_2, %dma_wait3A_65] : memref<9216x128xf32, #tpu.memory_space<hbm>> -> memref<288x128xf32, #tpu.memory_space<hbm>>
      %dma_wait3A_67 = arith.constant 0 : i32
      %dma_wait3A_68 = tpu.memref_slice %arg4[%mul3A_2, %dma_wait3A_67] : memref<9216x128xf32, #tpu.memory_space<hbm>> -> memref<288x128xf32, #tpu.memory_space<hbm>>
      tpu.wait_dma2 semaphore(%run_scoped3A : memref<!tpu.dma_semaphore, #tpu.memory_space<semaphore_mem>>) src(%arg6 : memref<288x128xf32, #tpu.memory_space<vmem>>) dst(%dma_wait3A_68 : memref<288x128xf32, #tpu.memory_space<hbm>>)
      tpu.yield
    }) : () -> ()
    return
  }
}

module attributes {stable_mosaic.version = 14 : i64} {
  func.func @_pre_kernel(%arg0: i32, %arg1: memref<128x512xf32, #tpu.memory_space<vmem>>, %arg2: memref<512x128xf32, #tpu.memory_space<vmem>>, %arg3: memref<512x128xf32, #tpu.memory_space<vmem>>) attributes {dimension_semantics = [#tpu.dimension_semantics<arbitrary>], iteration_bounds = array<i64: 18>, scalar_prefetch = 0 : i64, scratch_operands = 0 : i64, tpu.core_type = #tpu.core_type<tc>, window_params = [{transform_indices = @transform_0, window_bounds = array<i64: 128, 512>}, {transform_indices = @transform_1, window_bounds = array<i64: 512, 128>}, {transform_indices = @transform_2, window_bounds = array<i64: 512, 128>}]} {
    %get3A = arith.constant 0 : index
    %get3A_0 = arith.constant 0 : index
    %get3A_1 = vector.load %arg1[%get3A, %get3A_0] : memref<128x512xf32, #tpu.memory_space<vmem>>, vector<128x512xf32>
    %transpose3A = tpu.transpose %get3A_1, [1, 0] : vector<128x512xf32> -> vector<512x128xf32>
    %broadcast_in_dim3A = arith.constant 0.000000e+00 : f32
    %broadcast_in_dim3A_2 = vector.broadcast %broadcast_in_dim3A : f32 to vector<512x64xf32>
    %slice3A = vector.extract_strided_slice %transpose3A {offsets = [0, 0], sizes = [512, 64], strides = [1, 1]} : vector<512x128xf32> to vector<512x64xf32>
    %concatenate3A = tpu.concatenate %slice3A, %broadcast_in_dim3A_2 in 1 : vector<512x64xf32>, vector<512x64xf32> -> vector<512x128xf32>
    %swap3A = arith.constant 0 : index
    %swap3A_3 = arith.constant 0 : index
    %swap3A_4 = vector.load %arg2[%swap3A, %swap3A_3] : memref<512x128xf32, #tpu.memory_space<vmem>>, vector<512x128xf32>
    tpu.vector_store %arg2[%swap3A, %swap3A_3], %concatenate3A {strides = array<i32>} : memref<512x128xf32, #tpu.memory_space<vmem>>, vector<512x128xf32>,
    %slice3A_5 = vector.extract_strided_slice %transpose3A {offsets = [0, 64], sizes = [512, 64], strides = [1, 1]} : vector<512x128xf32> to vector<512x64xf32>
    %concatenate3A_6 = tpu.concatenate %slice3A_5, %broadcast_in_dim3A_2 in 1 : vector<512x64xf32>, vector<512x64xf32> -> vector<512x128xf32>
    %swap3A_7 = arith.constant 0 : index
    %swap3A_8 = arith.constant 0 : index
    %swap3A_9 = vector.load %arg3[%swap3A_7, %swap3A_8] : memref<512x128xf32, #tpu.memory_space<vmem>>, vector<512x128xf32>
    tpu.vector_store %arg3[%swap3A_7, %swap3A_8], %concatenate3A_6 {strides = array<i32>} : memref<512x128xf32, #tpu.memory_space<vmem>>, vector<512x128xf32>,
    return
  }
  func.func @transform_0(%arg0: i32) -> (i32, i32) {
    %c0_i32 = arith.constant 0 : i32
    %c0_i32_0 = arith.constant 0 : i32
    return %c0_i32, %arg0 : i32, i32
  }
  func.func @transform_1(%arg0: i32) -> (i32, i32) {
    %c0_i32 = arith.constant 0 : i32
    %c0_i32_0 = arith.constant 0 : i32
    return %arg0, %c0_i32 : i32, i32
  }
  func.func @transform_2(%arg0: i32) -> (i32, i32) {
    %c0_i32 = arith.constant 0 : i32
    %c0_i32_0 = arith.constant 0 : i32
    return %arg0, %c0_i32 : i32, i32
  }
}

module attributes {stable_mosaic.version = 14 : i64} {
  func.func @_attn_kernel(%arg0: i32, %arg1: memref<2xi32, #tpu.memory_space<smem>>, %arg2: memref<512x128xf32, #tpu.memory_space<vmem>>, %arg3: memref<9728x128xf32, #tpu.memory_space<vmem>>, %arg4: memref<1x9728xf32, #tpu.memory_space<vmem>>, %arg5: memref<1x9728xf32, #tpu.memory_space<vmem>>, %arg6: memref<512x128xf32, #tpu.memory_space<vmem>>) attributes {dimension_semantics = [#tpu.dimension_semantics<arbitrary>], iteration_bounds = array<i64: 19>, scalar_prefetch = 1 : i64, scratch_operands = 0 : i64, tpu.core_type = #tpu.core_type<tc>, window_params = [{transform_indices = @transform_0, window_bounds = array<i64: 512, 128>}, {pipeline_mode = #tpu.pipeline_mode<synchronous>, transform_indices = @transform_1, window_bounds = array<i64: 9728, 128>}, {pipeline_mode = #tpu.pipeline_mode<synchronous>, transform_indices = @transform_2, window_bounds = array<i64: 1, 9728>}, {pipeline_mode = #tpu.pipeline_mode<synchronous>, transform_indices = @transform_3, window_bounds = array<i64: 1, 9728>}, {transform_indices = @transform_4, window_bounds = array<i64: 512, 128>}]} {
    %get3A = arith.constant 0 : index
    %get3A_0 = memref.load %arg1[%get3A] : memref<2xi32, #tpu.memory_space<smem>>
    %get3A_1 = arith.constant 1 : index
    %get3A_2 = memref.load %arg1[%get3A_1] : memref<2xi32, #tpu.memory_space<smem>>
    %mul3A = arith.constant 512 : i32
    %mul3A_3 = arith.muli %arg0, %mul3A : i32
    %lt3A = arith.cmpi slt, %mul3A_3, %get3A_0 : i32
    %convert_element_type3A = arith.extui %lt3A : i1 to i32
    %cond3A = arith.constant 0 : i32
    %cond3A_4 = arith.cmpi ne, %convert_element_type3A, %cond3A : i32
    scf.if %cond3A_4 {
      %get3A_10 = arith.constant 0 : index
      %get3A_11 = arith.constant 0 : index
      %get3A_12 = vector.load %arg2[%get3A_10, %get3A_11] : memref<512x128xf32, #tpu.memory_space<vmem>>, vector<512x128xf32>
      %slice3A = vector.extract_strided_slice %get3A_12 {offsets = [0, 0], sizes = [512, 64], strides = [1, 1]} : vector<512x128xf32> to vector<512x64xf32>
      %add3A = arith.constant 1024 : i32
      %add3A_13 = arith.addi %get3A_2, %add3A : i32
      %sub3A = arith.constant 1 : i32
      %sub3A_14 = arith.subi %add3A_13, %sub3A : i32
      %jit3A = arith.constant 1024 : i32
      %div3A = arith.divsi %sub3A_14, %jit3A : i32
      %sign3A = arith.constant 0 : i32
      %sign3A_15 = arith.cmpi sgt, %sub3A_14, %sign3A : i32
      %sign3A_16 = arith.extui %sign3A_15 : i1 to i32
      %sign3A_17 = arith.constant 0 : i32
      %sign3A_18 = arith.cmpi slt, %sub3A_14, %sign3A_17 : i32
      %sign3A_19 = arith.extui %sign3A_18 : i1 to i32
      %sign3A_20 = arith.subi %sign3A_16, %sign3A_19 : i32
      %sign3A_21 = arith.constant 0 : i32
      %sign3A_22 = arith.cmpi sgt, %jit3A, %sign3A_21 : i32
      %sign3A_23 = arith.extui %sign3A_22 : i1 to i32
      %sign3A_24 = arith.constant 0 : i32
      %sign3A_25 = arith.cmpi slt, %jit3A, %sign3A_24 : i32
      %sign3A_26 = arith.extui %sign3A_25 : i1 to i32
      %sign3A_27 = arith.subi %sign3A_23, %sign3A_26 : i32
      %ne3A = arith.cmpi ne, %sign3A_20, %sign3A_27 : i32
      %rem3A = arith.remsi %sub3A_14, %jit3A : i32
      %ne3A_28 = arith.constant 0 : i32
      %ne3A_29 = arith.cmpi ne, %rem3A, %ne3A_28 : i32
      %and3A = arith.andi %ne3A, %ne3A_29 : i1
      %sub3A_30 = arith.constant 1 : i32
      %sub3A_31 = arith.subi %div3A, %sub3A_30 : i32
      %select_n3A = arith.select %and3A, %sub3A_31, %div3A : i32
      %broadcast_in_dim3A = arith.constant 0.000000e+00 : f32
      %broadcast_in_dim3A_32 = vector.broadcast %broadcast_in_dim3A : f32 to vector<512x1xf32>
      %broadcast_in_dim3A_33 = arith.constant 0.000000e+00 : f32
      %broadcast_in_dim3A_34 = vector.broadcast %broadcast_in_dim3A_33 : f32 to vector<512x64xf32>
      %while3A = arith.constant 0 : i32
      %while3A_35 = arith.subi %select_n3A, %while3A : i32
      %while3A_36 = arith.addi %while3A, %while3A_35 : i32
      %while3A_37 = arith.constant 1 : i32
      %while3A_38 = arith.divsi %while3A_35, %while3A_37 : i32
      %while3A_39 = arith.muli %while3A_38, %while3A_37 : i32
      %while3A_40 = arith.addi %while3A, %while3A_39 : i32
      %while3A_41 = arith.constant 1 : i32
      %while3A_42:2 = scf.for %while3A_51 = %while3A to %while3A_40 step %while3A_41 iter_args(%while3A_52 = %broadcast_in_dim3A_32, %while3A_53 = %broadcast_in_dim3A_34) -> (vector<512x1xf32>, vector<512x64xf32>)  : i32 {
        %mul3A_54 = arith.constant 1024 : i32
        %mul3A_55 = arith.muli %while3A_51, %mul3A_54 : i32
        %get3A_56 = arith.index_cast %mul3A_55 : i32 to index
        %get3A_57 = arith.constant 0 : index
        %get3A_58 = vector.load %arg3[%get3A_56, %get3A_57] : memref<9728x128xf32, #tpu.memory_space<vmem>>, vector<1024x128xf32>
        %slice3A_59 = vector.extract_strided_slice %get3A_58 {offsets = [0, 0], sizes = [1024, 64], strides = [1, 1]} : vector<1024x128xf32> to vector<1024x64xf32>
        %dot_general3A = arith.constant dense<0.000000e+00> : vector<512x1024xf32>
        %dot_general3A_60 = tpu.matmul %slice3A, %slice3A_59, %dot_general3A {dimension_numbers = #tpu.dot_dimension_numbers<[1], [1], [0], [0], [0, 0, 1, 0], [], []>, transpose_lhs_hint = false} : vector<512x64xf32>, vector<1024x64xf32>, vector<512x1024xf32> -> vector<512x1024xf32>
        %mul3A_61 = arith.constant 1024 : i32
        %mul3A_62 = arith.muli %while3A_51, %mul3A_61 : i32
        %get3A_63 = arith.constant 0 : index
        %get3A_64 = arith.index_cast %mul3A_62 : i32 to index
        %get3A_65 = vector.load %arg5[%get3A_63, %get3A_64] : memref<1x9728xf32, #tpu.memory_space<vmem>>, vector<1x1024xf32>
        %mul3A_66 = vector.broadcast %get3A_65 : vector<1x1024xf32> to vector<512x1024xf32>
        %mul3A_67 = arith.mulf %dot_general3A_60, %mul3A_66 : vector<512x1024xf32>
        %mul3A_68 = arith.constant 1024 : i32
        %mul3A_69 = arith.muli %while3A_51, %mul3A_68 : i32
        %get3A_70 = arith.constant 0 : index
        %get3A_71 = arith.index_cast %mul3A_69 : i32 to index
        %get3A_72 = vector.load %arg4[%get3A_70, %get3A_71] : memref<1x9728xf32, #tpu.memory_space<vmem>>, vector<1x1024xf32>
        %add3A_73 = vector.broadcast %get3A_72 : vector<1x1024xf32> to vector<512x1024xf32>
        %add3A_74 = arith.addf %mul3A_67, %add3A_73 : vector<512x1024xf32>
        %exp3A = math.exp %add3A_74 : vector<512x1024xf32>
        %reduce_sum3A = arith.constant dense<0.000000e+00> : vector<512xf32>
        %reduce_sum3A_75 = vector.multi_reduction <add>, %exp3A, %reduce_sum3A [1] : vector<512x1024xf32> to vector<512xf32>
        %broadcast_in_dim3A_76 = vector.shape_cast %reduce_sum3A_75 : vector<512xf32> to vector<512x1xf32>
        %add3A_77 = arith.addf %while3A_52, %broadcast_in_dim3A_76 : vector<512x1xf32>
        %dot_general3A_78 = arith.constant dense<0.000000e+00> : vector<512x64xf32>
        %dot_general3A_79 = tpu.matmul %exp3A, %slice3A_59, %dot_general3A_78 {dimension_numbers = #tpu.dot_dimension_numbers<[1], [0], [0], [1], [0, 0, 1, 1], [], []>, transpose_lhs_hint = false} : vector<512x1024xf32>, vector<1024x64xf32>, vector<512x64xf32> -> vector<512x64xf32>
        %add3A_80 = arith.addf %while3A_53, %dot_general3A_79 : vector<512x64xf32>
        scf.yield %add3A_77, %add3A_80 : vector<512x1xf32>, vector<512x64xf32>
      }
      %while3A_43 = arith.constant 1 : i32
      %while3A_44:2 = scf.for %while3A_51 = %while3A_40 to %while3A_36 step %while3A_43 iter_args(%while3A_52 = %while3A_42#0, %while3A_53 = %while3A_42#1) -> (vector<512x1xf32>, vector<512x64xf32>)  : i32 {
        %mul3A_54 = arith.constant 1024 : i32
        %mul3A_55 = arith.muli %while3A_51, %mul3A_54 : i32
        %get3A_56 = arith.index_cast %mul3A_55 : i32 to index
        %get3A_57 = arith.constant 0 : index
        %get3A_58 = vector.load %arg3[%get3A_56, %get3A_57] : memref<9728x128xf32, #tpu.memory_space<vmem>>, vector<1024x128xf32>
        %slice3A_59 = vector.extract_strided_slice %get3A_58 {offsets = [0, 0], sizes = [1024, 64], strides = [1, 1]} : vector<1024x128xf32> to vector<1024x64xf32>
        %dot_general3A = arith.constant dense<0.000000e+00> : vector<512x1024xf32>
        %dot_general3A_60 = tpu.matmul %slice3A, %slice3A_59, %dot_general3A {dimension_numbers = #tpu.dot_dimension_numbers<[1], [1], [0], [0], [0, 0, 1, 0], [], []>, transpose_lhs_hint = false} : vector<512x64xf32>, vector<1024x64xf32>, vector<512x1024xf32> -> vector<512x1024xf32>
        %mul3A_61 = arith.constant 1024 : i32
        %mul3A_62 = arith.muli %while3A_51, %mul3A_61 : i32
        %get3A_63 = arith.constant 0 : index
        %get3A_64 = arith.index_cast %mul3A_62 : i32 to index
        %get3A_65 = vector.load %arg5[%get3A_63, %get3A_64] : memref<1x9728xf32, #tpu.memory_space<vmem>>, vector<1x1024xf32>
        %mul3A_66 = vector.broadcast %get3A_65 : vector<1x1024xf32> to vector<512x1024xf32>
        %mul3A_67 = arith.mulf %dot_general3A_60, %mul3A_66 : vector<512x1024xf32>
        %mul3A_68 = arith.constant 1024 : i32
        %mul3A_69 = arith.muli %while3A_51, %mul3A_68 : i32
        %get3A_70 = arith.constant 0 : index
        %get3A_71 = arith.index_cast %mul3A_69 : i32 to index
        %get3A_72 = vector.load %arg4[%get3A_70, %get3A_71] : memref<1x9728xf32, #tpu.memory_space<vmem>>, vector<1x1024xf32>
        %add3A_73 = vector.broadcast %get3A_72 : vector<1x1024xf32> to vector<512x1024xf32>
        %add3A_74 = arith.addf %mul3A_67, %add3A_73 : vector<512x1024xf32>
        %exp3A = math.exp %add3A_74 : vector<512x1024xf32>
        %reduce_sum3A = arith.constant dense<0.000000e+00> : vector<512xf32>
        %reduce_sum3A_75 = vector.multi_reduction <add>, %exp3A, %reduce_sum3A [1] : vector<512x1024xf32> to vector<512xf32>
        %broadcast_in_dim3A_76 = vector.shape_cast %reduce_sum3A_75 : vector<512xf32> to vector<512x1xf32>
        %add3A_77 = arith.addf %while3A_52, %broadcast_in_dim3A_76 : vector<512x1xf32>
        %dot_general3A_78 = arith.constant dense<0.000000e+00> : vector<512x64xf32>
        %dot_general3A_79 = tpu.matmul %exp3A, %slice3A_59, %dot_general3A_78 {dimension_numbers = #tpu.dot_dimension_numbers<[1], [0], [0], [1], [0, 0, 1, 1], [], []>, transpose_lhs_hint = false} : vector<512x1024xf32>, vector<1024x64xf32>, vector<512x64xf32> -> vector<512x64xf32>
        %add3A_80 = arith.addf %while3A_53, %dot_general3A_79 : vector<512x64xf32>
        scf.yield %add3A_77, %add3A_80 : vector<512x1xf32>, vector<512x64xf32>
      }
      %div3A_45 = vector.broadcast %while3A_44#0 : vector<512x1xf32> to vector<512x64xf32>
      %div3A_46 = arith.divf %while3A_44#1, %div3A_45 : vector<512x64xf32>
      %broadcast_in_dim3A_47 = arith.constant 0.000000e+00 : f32
      %broadcast_in_dim3A_48 = vector.broadcast %broadcast_in_dim3A_47 : f32 to vector<512x64xf32>
      %concatenate3A = tpu.concatenate %div3A_46, %broadcast_in_dim3A_48 in 1 : vector<512x64xf32>, vector<512x64xf32> -> vector<512x128xf32>
      %swap3A = arith.constant 0 : index
      %swap3A_49 = arith.constant 0 : index
      %swap3A_50 = vector.load %arg6[%swap3A, %swap3A_49] : memref<512x128xf32, #tpu.memory_space<vmem>>, vector<512x128xf32>
      tpu.vector_store %arg6[%swap3A, %swap3A_49], %concatenate3A {strides = array<i32>} : memref<512x128xf32, #tpu.memory_space<vmem>>, vector<512x128xf32>,
    } else {
    }
    %mul3A_5 = arith.constant 512 : i32
    %mul3A_6 = arith.muli %arg0, %mul3A_5 : i32
    %ge3A = arith.cmpi sge, %mul3A_6, %get3A_0 : i32
    %convert_element_type3A_7 = arith.extui %ge3A : i1 to i32
    %cond3A_8 = arith.constant 0 : i32
    %cond3A_9 = arith.cmpi ne, %convert_element_type3A_7, %cond3A_8 : i32
    scf.if %cond3A_9 {
      %broadcast_in_dim3A = arith.constant 0.000000e+00 : f32
      %broadcast_in_dim3A_10 = vector.broadcast %broadcast_in_dim3A : f32 to vector<512x128xf32>
      %swap3A = arith.constant 0 : index
      %swap3A_11 = arith.constant 0 : index
      %swap3A_12 = vector.load %arg6[%swap3A, %swap3A_11] : memref<512x128xf32, #tpu.memory_space<vmem>>, vector<512x128xf32>
      tpu.vector_store %arg6[%swap3A, %swap3A_11], %broadcast_in_dim3A_10 {strides = array<i32>} : memref<512x128xf32, #tpu.memory_space<vmem>>, vector<512x128xf32>,
    } else {
    }
    return
  }
  func.func @transform_0(%arg0: i32, %arg1: memref<2xi32, #tpu.memory_space<smem>>) -> (i32, i32) {
    %c0_i32 = arith.constant 0 : i32
    %c0_i32_0 = arith.constant 0 : i32
    return %arg0, %c0_i32 : i32, i32
  }
  func.func @transform_1(%arg0: i32, %arg1: memref<2xi32, #tpu.memory_space<smem>>) -> (i32, i32) {
    %c0_i32 = arith.constant 0 : i32
    %c0_i32_0 = arith.constant 0 : i32
    %c0_i32_1 = arith.constant 0 : i32
    return %c0_i32, %c0_i32_0 : i32, i32
  }
  func.func @transform_2(%arg0: i32, %arg1: memref<2xi32, #tpu.memory_space<smem>>) -> (i32, i32) {
    %c0_i32 = arith.constant 0 : i32
    %c0_i32_0 = arith.constant 0 : i32
    %c0_i32_1 = arith.constant 0 : i32
    return %c0_i32, %c0_i32_0 : i32, i32
  }
  func.func @transform_3(%arg0: i32, %arg1: memref<2xi32, #tpu.memory_space<smem>>) -> (i32, i32) {
    %c0_i32 = arith.constant 0 : i32
    %c0_i32_0 = arith.constant 0 : i32
    %c0_i32_1 = arith.constant 0 : i32
    return %c0_i32, %c0_i32_0 : i32, i32
  }
  func.func @transform_4(%arg0: i32, %arg1: memref<2xi32, #tpu.memory_space<smem>>) -> (i32, i32) {
    %c0_i32 = arith.constant 0 : i32
    %c0_i32_0 = arith.constant 0 : i32
    return %arg0, %c0_i32 : i32, i32
  }
}

module attributes {stable_mosaic.version = 14 : i64} {
  func.func @_post_kernel(%arg0: i32, %arg1: memref<512x128xf32, #tpu.memory_space<vmem>>, %arg2: memref<64x512xf32, #tpu.memory_space<vmem>>) attributes {dimension_semantics = [#tpu.dimension_semantics<arbitrary>], iteration_bounds = array<i64: 18>, scalar_prefetch = 0 : i64, scratch_operands = 0 : i64, tpu.core_type = #tpu.core_type<tc>, window_params = [{transform_indices = @transform_0, window_bounds = array<i64: 512, 128>}, {transform_indices = @transform_1, window_bounds = array<i64: 64, 512>}]} {
    %get3A = arith.constant 0 : index
    %get3A_0 = arith.constant 0 : index
    %get3A_1 = vector.load %arg1[%get3A, %get3A_0] : memref<512x128xf32, #tpu.memory_space<vmem>>, vector<512x128xf32>
    %slice3A = vector.extract_strided_slice %get3A_1 {offsets = [0, 0], sizes = [512, 64], strides = [1, 1]} : vector<512x128xf32> to vector<512x64xf32>
    %transpose3A = tpu.transpose %slice3A, [1, 0] : vector<512x64xf32> -> vector<64x512xf32>
    %swap3A = arith.constant 0 : index
    %swap3A_2 = arith.constant 0 : index
    %swap3A_3 = vector.load %arg2[%swap3A, %swap3A_2] : memref<64x512xf32, #tpu.memory_space<vmem>>, vector<64x512xf32>
    tpu.vector_store %arg2[%swap3A, %swap3A_2], %transpose3A {strides = array<i32>} : memref<64x512xf32, #tpu.memory_space<vmem>>, vector<64x512xf32>,
    return
  }
  func.func @transform_0(%arg0: i32) -> (i32, i32) {
    %c0_i32 = arith.constant 0 : i32
    %c0_i32_0 = arith.constant 0 : i32
    return %arg0, %c0_i32 : i32, i32
  }
  func.func @transform_1(%arg0: i32) -> (i32, i32) {
    %c0_i32 = arith.constant 0 : i32
    %c0_i32_0 = arith.constant 0 : i32
    return %c0_i32, %arg0 : i32, i32
  }
}

</mosaic_0001>

<sc_bundles>
// kernel: kernel.10.cloned.1.call-start
scs
__scs_entry_jumppad:
0x0: {  	(pc) =	sbr.rel $0x88, $3  }
0x1: {  	(tag) =	ssettag $0x0;
	lr =	simm.s32 $0x1  }
0x2: {  	[smem:$0x3F9F] =	sst lr;
	_ =	strace $0xD0000000  }
0x3: {  	_ = 	snop  }
0x4: {  	_ = 	snop  }
0x5: {  	_ = 	snop  }
0x6: {  	_ = 	snop  }
0x7: {  	_ = 	snop  }
__scs_overlays_trampoline_lowered:
0x8: {  	[smem:$0x3FAE] =	sst s0  }
0x9: {  	[smem:$0x3FAF] =	sst s1  }
0xa: {  	[smem:$0x3FB0] =	sst s2  }
0xb: {  	[smem:$0x3FB1] =	sst s3  }
0xc: {  	[smem:$0x3FB2] =	sst s4  }
0xd: {  	[smem:$0x3FB3] =	sst s5  }
0xe: {  	[smem:$0x3FB4] =	sst s6  }
0xf: {  	[smem:$0x3FB5] =	sst s7  }
0x10: {  	[smem:$0x3FB6] =	sst s8  }
0x11: {  	[smem:$0x3FB7] =	sst s9;
	s0 =	simm.s32 @!p0 $0x0  }
0x12: {  	s1 =	sld [smem:$0x3F9D];
	s0 =	simm.s32 @p0 $0x1  }
0x13: {  	[smem:$0x3FB8] =	sst s0;
	s0 =	simm.s32 @!p1 $0x0  }
0x14: {  	s2 =	sld [smem:$0x3F9C];
	s0 =	simm.s32 @p1 $0x1  }
0x15: {  	[smem:$0x3FB9] =	sst s0;
	s0 =	simm.s32 @!p2 $0x0  }
0x16: {  	s3 =	sld [smem:$0x3FDB];
	s0 =	simm.s32 @p2 $0x1  }
0x17: {  	s4 =	simm.s32 $0x1BF5;
	[smem:$0x3FBB] =	sst s0  }
0x18: {  	s0 =	sld [smem:$0x3F9E];
	_ =	swait.ge [sflag:s4], $0x0  }
0x19: {  	s7 =	sld [smem:$0x3F9F]  }
0x1a: {  	s8 =	sadd.s32 $0xFFFFE003, lr  }
0x1b: {  	s9 =	sadd.s32 $0xFFFFFEF7, lr;
	s5 =	simm.s32 $0xFFFFFFFF;
	p2 =	slt.u32 s8, $0xFFFFF086  }
0x1c: {  	p1 =	slt.u32 s9, $0xF7A;
	s5 =	simm.s32 @!p2 $0x0  }
0x1d: {  	s5 =	simm.s32 @p1 $0x1;
	p0 =	seq.s32 s7, s2  }
0x1e: {  	s7 =	smul.u32 @!p0 $0xF7A, s2;
	p2 =	seq.s32 @!p0 s5, $0x0  }
0x1f: {  	s9 =	smul.u32 $0xF7A, s1;
	s8 =	simm.s32 @!p0 $0x1BF5;
	p2 =	por !p2, p0  }
0x20: {  	[sflag:s8] =	ssyncset.s32 @!p0 $0xFFFFF086;
	s6 =	sadd.s32 @!p0 s3, s7;
	s7 =	simm.s32 @!p0 $0x108  }
0x21: {  	s3 =	sadd.s32 s3, s9;
	s6 =	sadd.s32 @!p0 $0x88, s6;
	s7 =	simm.s32 @p2 $0x1082  }
0x22: {  	[simem:s7], [sflag:s8] =	dma.local @!p0 [hbm:s6], $0xF7A  }
0x23: {  	s9 =	sor.u32 $0xD0000000, s2;
	s6 =	simm.s32 $0x108;
	_ =	swait.ge @!p0 [sflag:s8], $0x0  }
0x24: {  	s3 =	sadd.s32 $0x88, s3;
	s6 =	simm.s32 @!p1 $0x1082;
	[sflag:s4] =	ssyncset.s32 $0xFFFFF086  }
0x25: {  	[simem:s6], [sflag:s4] =	dma.local [hbm:s3], $0xF7A  }
0x26: {  	[smem:$0x3F9F] =	sst s1;
	(tag) =	ssettag s2;
	_ =	strace s9  }
0x27: {  	s1 =	sld [smem:$0x3FAF]  }
0x28: {  	s2 =	sld [smem:$0x3FB0]  }
0x29: {  	s4 =	sld [smem:$0x3FB2]  }
0x2a: {  	p0 =	seq.s32 s5, $0x0;
	s5 =	sld [smem:$0x3FB3]  }
0x2b: {  	s6 =	sld [smem:$0x3FB4]  }
0x2c: {  	s7 =	sld [smem:$0x3FB5]  }
0x2d: {  	s3 =	simm.s32 $0x108;
	s8 =	sld [smem:$0x3FB6]  }
0x2e: {  	s3 =	simm.s32 @!p0 $0x1082;
	s9 =	sld [smem:$0x3FB7]  }
0x2f: {  	lr =	sadd.s32 s0, s3;
	s0 =	sld [smem:$0x3FAE]  }
0x30: {  	s3 =	sld [smem:$0x3FB1]  }
0x31: {  	[smem:$0x3FBA] =	sst s10  }
0x32: {  	s10 =	sld [smem:$0x3FB8];
	_ =	sdelay $0x3  }
0x33: {  	p0 =	seq.s32 s10, $0x1;
	s10 =	sld [smem:$0x3FBA];
	_ =	sdelay $0x3  }
0x34: {  	[smem:$0x3FBA] =	sst s10  }
0x35: {  	s10 =	sld [smem:$0x3FB9];
	_ =	sdelay $0x3  }
0x36: {  	p1 =	seq.s32 s10, $0x1;
	s10 =	sld [smem:$0x3FBA];
	_ =	sdelay $0x3  }
0x37: {  	[smem:$0x3FBA] =	sst s10  }
0x38: {  	s10 =	sld [smem:$0x3FBB]  }
0x39: {  	_ = 	snop;
	(pc) =	sbr.ind lr, $3  }
0x3a: {  	_ = 	snop  }
0x3b: {  	_ = 	snop  }
0x3c: {  	p2 =	seq.s32 s10, $0x1;
	s10 =	sld [smem:$0x3FBA]  }
0x3d: {  	_ =	shalt  }
0x3e: {  	_ =	shalt  }
0x3f: {  	_ =	shalt  }
0x40: {  	_ =	shalt  }
0x41: {  	_ =	shalt  }
0x42: {  	_ =	shalt  }
0x43: {  	_ =	shalt  }
0x44: {  	_ =	shalt  }
0x45: {  	_ =	shalt  }
0x46: {  	_ =	shalt  }
0x47: {  	_ =	shalt  }
0x48: {  	_ =	shalt  }
0x49: {  	_ =	shalt  }
0x4a: {  	_ =	shalt  }
0x4b: {  	_ =	shalt  }
0x4c: {  	_ =	shalt  }
0x4d: {  	_ =	shalt  }
0x4e: {  	_ =	shalt  }
0x4f: {  	_ =	shalt  }
0x50: {  	_ =	shalt  }
0x51: {  	_ =	shalt  }
0x52: {  	_ =	shalt  }
0x53: {  	_ =	shalt  }
0x54: {  	_ =	shalt  }
0x55: {  	_ =	shalt  }
0x56: {  	_ =	shalt  }
0x57: {  	_ =	shalt  }
0x58: {  	_ =	shalt  }
0x59: {  	_ =	shalt  }
0x5a: {  	_ =	shalt  }
0x5b: {  	_ =	shalt  }
0x5c: {  	_ =	shalt  }
0x5d: {  	_ =	shalt  }
0x5e: {  	_ =	shalt  }
0x5f: {  	_ =	shalt  }
0x60: {  	_ =	shalt  }
0x61: {  	_ =	shalt  }
0x62: {  	_ =	shalt  }
0x63: {  	_ =	shalt  }
0x64: {  	_ =	shalt  }
0x65: {  	_ =	shalt  }
0x66: {  	_ =	shalt  }
0x67: {  	_ =	shalt  }
0x68: {  	_ =	shalt  }
0x69: {  	_ =	shalt  }
0x6a: {  	_ =	shalt  }
0x6b: {  	_ =	shalt  }
0x6c: {  	_ =	shalt  }
0x6d: {  	_ =	shalt  }
0x6e: {  	_ =	shalt  }
0x6f: {  	_ =	shalt  }
0x70: {  	_ =	shalt  }
0x71: {  	_ =	shalt  }
0x72: {  	_ =	shalt  }
0x73: {  	_ =	shalt  }
0x74: {  	_ =	shalt  }
0x75: {  	_ =	shalt  }
0x76: {  	_ =	shalt  }
0x77: {  	_ =	shalt  }
0x78: {  	_ =	shalt  }
0x79: {  	_ =	shalt  }
0x7a: {  	_ =	shalt  }
0x7b: {  	_ =	shalt  }
0x7c: {  	_ =	shalt  }
0x7d: {  	_ =	shalt  }
0x7e: {  	_ =	shalt  }
0x7f: {  	_ =	shalt  }
0x80: {  	_ =	shalt  }
0x81: {  	_ =	shalt  }
0x82: {  	_ =	shalt  }
0x83: {  	_ =	shalt  }
0x84: {  	_ =	shalt  }
0x85: {  	_ =	shalt  }
0x86: {  	_ =	shalt  }
0x87: {  	_ =	shalt  }
.Lfunc_end0:
.L_simem_size_0:
called_computation.1_lowered:
.L_overlay_start_0:
0x88: {  	s2 =	sld [smem:$0x3FD9]  }
0x89: {  	s3 =	sld [smem:$0x3FFE];
	_ =	sdelay $0x1  }
0x8a: {  	s1 =	srdreg.scid  }
0x8b: {  	s0 =	sand.u32 $0x1, s1  }
0x8c: {  	s17 =	sshll.u32 s0, $0xA;
	s2 =	sadd.s32 s3, s2  }
0x8d: {  	s2 =	sadd.s32 s2, s17  }
0x8e: {  	[smem:$0x3FC6] =	sst s2  }
0x8f: {  	_ = 	snop  }
0x90: {  	s2 =	sld [smem:$0x3FD0];
	(tm) =	ssettm $0x1  }
0x91: {  	s18 =	sld [smem:$0x3FFB];
	_ =	sdelay $0x3  }
0x92: {  	_ =	strace s18  }
0x93: {  	s3 =	sld [smem:$0x3FFC];
	_ =	sdelay $0x3  }
0x94: {  	_ =	strace s3  }
0x95: {  	s3 =	sld [smem:$0x3FFD];
	_ =	sdelay $0x3  }
0x96: {  	_ =	strace s3  }
0x97: {  	_ =	strace $0x8FFFFFFF  }
0x98: {  	s19 =	sld [smem:$0x3FDB];
	_ =	sdelay $0x1  }
0x99: {  	s4 =	simm.s32 $_scs_section_size  }
0x9a: {  	s5 =	simm.s32 $_size__tile_overlayer_lowered;
	s6 =	simm.s32 $_tile_overlayer_lowered  }
0x9b: {  	s22 =	simm.s32 $0x1BFF;
	s21 =	sshll.u32 s6, $0x1;
	s3 =	sadd.s32 s4, s19  }
0x9c: {  	s7 =	simm.s32 $0x0;
	s20 =	sshll.u32 s5, $0x1;
	s5 =	sadd.s32 s21, s3  }
0x9d: {  	[timem:s7], [sflag:s22] =	dma.local [hbm:s5], s20  }
0x9e: {  	_ =	swait.ge [sflag:s22], s20  }
0x9f: {  	s4 =	ssub.s32 $0x0, s20;
	[sflag:s22] =	ssyncset.done $0x0  }
0xa0: {  	[sflag:s22] =	ssyncadd.s32 s4;
	_ =	sdelay $0x1  }
0xa1: {  	s23 =	simm.s32 $0x1B8B  }
0xa2: {  	_ =	swait.ge [sflag:s23], $0x1  }
0xa3: {  	[sflag:s23] =	ssyncset.done $0x0  }
0xa4: {  	s25 =	simm.s32 $0x1B8E;
	s24 =	sld [smem:$0x3FFE];
	[sflag:s23] =	ssyncadd.s32 $0xFFFFFFFF  }
0xa5: {  	s26 =	simm.s32 $execute0_lowered;
	[smem:$0x3FD2] =	sst s25  }
0xa6: {  	s5 =	sshll.u32 s26, $0x1;
	_ =	strace $0x80000049;
	[dreg:$0x1] =	wrdreg $0xFFFFFFFF  }
0xa7: {  	s28 =	simm.s32 $_size_execute0_lowered;
	s3 =	sadd.s32 s3, s5;
	[dreg:$0x0] =	wrdreg $0x0  }
0xa8: {  	s5 =	sshll.u32 s28, $0x1;
	[dreg:$0x2] =	wrdreg s3  }
0xa9: {  	[dreg:$0x3] =	wrdreg s5  }
0xaa: {  	[dreg:$0x4] =	wrdreg $0xC0  }
0xab: {  	_ =	task [dreg:s7], $0x5FFFF  }
0xac: {  	[dreg:$0x1] =	wrdreg $0xFFFFFFFF  }
0xad: {  	[dreg:$0x0] =	wrdreg $0x60  }
0xae: {  	[dreg:$0x2] =	wrdreg s2  }
0xaf: {  	[dreg:$0x3] =	wrdreg s24  }
0xb0: {  	[dreg:$0x4] =	wrdreg $0x9  }
0xb1: {  	_ =	task.clear_ibuf [dreg:s7], $0x5FFFF;
	_ =	strace $0x90000049  }
0xb2: {  	s29 =	simm.s32 $0x9;
	_ =	strace $0x8000004B  }
0xb3: {  	_ =	swait.ge [sflag:s29], $0x1  }
0xb4: {  	[sflag:s29] =	ssyncadd.s32 $0xFFFFFFFF  }
0xb5: {  	_ =	strace $0x9000004B  }
0xb6: {  	_ =	sfence  }
0xb7: {  	s30 =	sld [smem:$0x0];
	_ =	sdelay $0x2  }
0xb8: {  	s31 =	sshll.u32 s1, $0xD;
	s1 =	sshrl.u32 s1, $0x2  }
0xb9: {  	s3 =	sand.u32 $0x4000, s31;
	s1 =	sadd.s32 s1, s30  }
0xba: {  	s0 =	sor.u32 s3, s0;
	s1 =	sshll.u32 s1, $0x11  }
0xbb: {  	s0 =	sor.u32 s1, s0  }
0xbc: {  	s0 =	sadd.s32 $0x8F2B, s0  }
0xbd: {  	[sflag:s0] =	ssyncadd.remote.s32 $0x1  }
0xbe: {  	_ =	sfence.sel $0xFFFF  }
0xbf: {  	[dreg:$0x0] =	wrdreg $0xFFFFFFFF;
	(pc) =	sbr.abs _section_cstart, $3  }
0xc0: {  	[dreg:$0x1] =	wrdreg $0xFFFFFFFF  }
0xc1: {  	_ =	task.clear_ibuf [dreg:s7], $0x2FFFF;
	_ =	strace $0x9FFFFFFF  }
0xc2: {  	(tm) =	ssettm $0x7FFFFFFF  }
0xc3: {  	_ =	shalt  }
tec
execute0_lowered:
.L_overlay_start_1:
0x0: {  	(tag) =	ssettag $0x1  }
0x1: {  	s1 =	srdreg.scid;
	s0 =	stileid.u32  }
0x2: {  	s2 =	rddreg [dreg:$0x0];
	s13 =	sand.u32 $0x1, s1;
	s29 =	sshll.u32 s0, $0x1  }
0x3: {  	s14 =	rddreg [dreg:$0x1];
	s15 =	sor.u32 s13, s29  }
0x4: {  	s3 =	simm.s32 $0x0;
	s1 =	rddreg [dreg:$0x2];
	s4 =	sshll.u32 s15, $0x6  }
0x5: {  	[smem:$0x7FF] =	sst s3;
	s4 =	sadd.s32 s4, s14  }
0x6: {  	_ =	strace $0x8000004A;
	s5 =	sadd.s32 $0x6F600, s4;
	s4 =	simm.s32 $0x2  }
0x7: {  	[tilespmem:s3], [sflag:$0x2] =	stream.linear.gather [hbm4b:s5+s3], $0x180, $0x38;
	[tilespmem:$0x9200] =	vst v63  }
0x8: {  	_ =	swait.ge [sflag:s4], $0x180  }
0x9: {  	[sflag:s4] =	ssyncset.done $0x0  }
0xa: {  	s6 =	simm.s32 $0x60;
	s7 =	simm.s32 $0x200;
	[sflag:s4] =	ssyncadd.s32 $0xFFFFFE80  }
0xb: {  	[tilespmem:s7], [sflag:$0x1] =	stream.indirect.gather [hbm4b:s2+s6], $0x80, s3, s6, $0xb8;
	[tilespmem:$0x9200] =	vst v63  }
0xc: {  	s8 =	simm.s32 $0x80;
	s9 =	simm.s32 $0x3200  }
0xd: {  	[tilespmem:s9], [sflag:$0x1] =	stream.indirect.gather [hbm4b:s2+s6], $0x80, s8, s6, $0xb8;
	[tilespmem:$0x9200] =	vst v63  }
0xe: {  	s10 =	simm.s32 $0x100;
	s11 =	simm.s32 $0x6200;
	s12 =	simm.s32 $0x1  }
0xf: {  	[tilespmem:s11], [sflag:$0x1] =	stream.indirect.gather [hbm4b:s2+s6], $0x80, s10, s6, $0xb8;
	[tilespmem:$0x9200] =	vst v63  }
0x10: {  	_ =	swait.ge [sflag:s12], $0x3000  }
0x11: {  	[sflag:s12] =	ssyncset.done $0x0  }
0x12: {  	s13 =	ssub.s32 $0x2, s13;
	[sflag:s12] =	ssyncadd.s32 $0xFFFFD000  }
0x13: {  	s16 =	sshrl.u32 s13, $0x1;
	_ =	swait.ge [sflag:s12], $0x3000  }
0x14: {  	s30 =	ssub.s32 s13, s16;
	[sflag:s12] =	ssyncset.done $0x0  }
0x15: {  	s15 =	smul.u32 $0x1200, s15;
	s31 =	smax.u32 s30, $0x1;
	[sflag:s12] =	ssyncadd.s32 $0xFFFFD000  }
0x16: {  	p0 =	sne.s32 s31, $0x1;
	_ =	swait.ge [sflag:s12], $0x3000  }
.Ltmp0:
0x17: {  	s14 =	sadd.s32 s15, s14;
	[sflag:s12] =	ssyncset.done $0x0;
	(pc) =	sbr.rel @!p0 .LBB2_2-.Ltmp0, $4  }
0x18: {  	s13 =	sadd.s32 $0x200, s14;
	[sflag:s12] =	ssyncadd.s32 $0xFFFFD000  }
0x19: {  	[hbm4b:s13+s3] =	stream.linear.scatter [tilespmem:s7], [sflag:$0x2], $0x9000, $0x38;
	[tilespmem:$0x9200] =	vst v63  }
0x1a: {  	_ =	swait.ge [sflag:s4], $0x9000  }
0x1b: {  	s14 =	sadd.s32 $0xFFFFFFFF, s31;
	[sflag:s4] =	ssyncset.done $0x0  }
.LBB2_1:
0x1c: {  	p0 =	sne.s32 s14, $0x1;
	s14 =	sadd.s32 $0xFFFFFFFF, s14;
	[sflag:s4] =	ssyncadd.s32 $0xFFFF7000  }
0x1d: {  	[tilespmem:s3], [sflag:$0x2] =	stream.linear.gather [hbm4b:s5+s3], $0x180, $0x38;
	[tilespmem:$0x9200] =	vst v63  }
0x1e: {  	_ =	swait.ge [sflag:s4], $0x180  }
0x1f: {  	[sflag:s4] =	ssyncset.done $0x0  }
0x20: {  	[sflag:s4] =	ssyncadd.s32 $0xFFFFFE80  }
0x21: {  	[tilespmem:s7], [sflag:$0x1] =	stream.indirect.gather [hbm4b:s2+s6], $0x80, s3, s6, $0xb8;
	[tilespmem:$0x9200] =	vst v63  }
0x22: {  	_ = 	snop  }
0x23: {  	[tilespmem:s9], [sflag:$0x1] =	stream.indirect.gather [hbm4b:s2+s6], $0x80, s8, s6, $0xb8;
	[tilespmem:$0x9200] =	vst v63  }
0x24: {  	_ = 	snop  }
0x25: {  	[tilespmem:s11], [sflag:$0x1] =	stream.indirect.gather [hbm4b:s2+s6], $0x80, s10, s6, $0xb8;
	[tilespmem:$0x9200] =	vst v63  }
0x26: {  	_ =	swait.ge [sflag:s12], $0x3000  }
0x27: {  	[sflag:s12] =	ssyncset.done $0x0  }
0x28: {  	[sflag:s12] =	ssyncadd.s32 $0xFFFFD000  }
0x29: {  	_ =	swait.ge [sflag:s12], $0x3000  }
0x2a: {  	[sflag:s12] =	ssyncset.done $0x0  }
0x2b: {  	[sflag:s12] =	ssyncadd.s32 $0xFFFFD000  }
0x2c: {  	_ =	swait.ge [sflag:s12], $0x3000  }
.Ltmp1:
0x2d: {  	[sflag:s12] =	ssyncset.done $0x0;
	(pc) =	sbr.rel @p0 .LBB2_1-.Ltmp1, $4  }
0x2e: {  	[sflag:s12] =	ssyncadd.s32 $0xFFFFD000  }
0x2f: {  	[hbm4b:s13+s3] =	stream.linear.scatter [tilespmem:s7], [sflag:$0x2], $0x9000, $0x38;
	[tilespmem:$0x9200] =	vst v63  }
0x30: {  	_ =	swait.ge [sflag:s4], $0x9000  }
0x31: {  	[sflag:s4] =	ssyncset.done $0x0  }
.LBB2_2:
0x32: {  	[sflag:s4] =	ssyncadd.s32 $0xFFFF7000  }
0x33: {  	_ =	sfence.sel $0x180000  }
0x34: {  	[bflag:$0x0] =	sbarrier.arrive $0xFFFF  }
0x35: {  	p0 =	sne.s32 s0, $0x0;
	_ =	strace $0x9000004A  }
0x36: {  	s0 =	sadd.s32 @!p0 $0x100000, s1;
	[bflag:$0x2] =	sbarrier.arrive $0xFFFF  }
0x37: {  	[sflag:s0] =	ssyncadd.tile.s32 @!p0 $0x1;
	_ =	shalt  }
.Lfunc_end2:
_tile_overlayer_lowered:
.L_overlay_start_2:
0x38: {  	(tag) =	ssettag $0x2  }
0x39: {  	s0 =	rddreg [dreg:$0x0];
	s2 =	stileid.u32  }
0x3a: {  	s1 =	rddreg [dreg:$0x1];
	p0 =	sne.s32 s2, $0x0  }
0x3b: {  	s3 =	rddreg [dreg:$0x2];
	[bflag:$0x3] =	sbarrier.arrive $0xFFFF;
	s2 =	simm.s32 @!p0 $0x1C02  }
0x3c: {  	[timem:s3], [sflag:s2] =	dma.local @!p0 [hbm:s0], s1  }
0x3d: {  	s0 =	simm.s32 @!p0 $0x2  }
0x3e: {  	_ =	swait.ge @!p0 [sflag:s0], s1  }
0x3f: {  	s1 =	ssub.s32 @!p0 $0x0, s1;
	[sflag:s0] =	ssyncset.done @!p0 $0x0  }
0x40: {  	[sflag:s0] =	ssyncadd.s32 @!p0 s1  }
0x41: {  	[bflag:$0x3] =	sbarrier.arrive $0xFFFF  }
0x42: {  	_ =	shalt  }

// kernel: kernel.7.cloned.1.call-start
scs
__scs_entry_jumppad:
0x0: {  	(pc) =	sbr.rel $0x88, $3  }
0x1: {  	(tag) =	ssettag $0x0;
	lr =	simm.s32 $0x1  }
0x2: {  	[smem:$0x3F9F] =	sst lr;
	_ =	strace $0xD0000000  }
0x3: {  	_ = 	snop  }
0x4: {  	_ = 	snop  }
0x5: {  	_ = 	snop  }
0x6: {  	_ = 	snop  }
0x7: {  	_ = 	snop  }
__scs_overlays_trampoline_lowered:
0x8: {  	[smem:$0x3FAE] =	sst s0  }
0x9: {  	[smem:$0x3FAF] =	sst s1  }
0xa: {  	[smem:$0x3FB0] =	sst s2  }
0xb: {  	[smem:$0x3FB1] =	sst s3  }
0xc: {  	[smem:$0x3FB2] =	sst s4  }
0xd: {  	[smem:$0x3FB3] =	sst s5  }
0xe: {  	[smem:$0x3FB4] =	sst s6  }
0xf: {  	[smem:$0x3FB5] =	sst s7  }
0x10: {  	[smem:$0x3FB6] =	sst s8  }
0x11: {  	[smem:$0x3FB7] =	sst s9;
	s0 =	simm.s32 @!p0 $0x0  }
0x12: {  	s1 =	sld [smem:$0x3F9D];
	s0 =	simm.s32 @p0 $0x1  }
0x13: {  	[smem:$0x3FB8] =	sst s0;
	s0 =	simm.s32 @!p1 $0x0  }
0x14: {  	s2 =	sld [smem:$0x3F9C];
	s0 =	simm.s32 @p1 $0x1  }
0x15: {  	[smem:$0x3FB9] =	sst s0;
	s0 =	simm.s32 @!p2 $0x0  }
0x16: {  	s3 =	sld [smem:$0x3FDB];
	s0 =	simm.s32 @p2 $0x1  }
0x17: {  	s4 =	simm.s32 $0x1BF5;
	[smem:$0x3FBB] =	sst s0  }
0x18: {  	s0 =	sld [smem:$0x3F9E];
	_ =	swait.ge [sflag:s4], $0x0  }
0x19: {  	s7 =	sld [smem:$0x3F9F]  }
0x1a: {  	s8 =	sadd.s32 $0xFFFFE003, lr  }
0x1b: {  	s9 =	sadd.s32 $0xFFFFFEF7, lr;
	s5 =	simm.s32 $0xFFFFFFFF;
	p2 =	slt.u32 s8, $0xFFFFF086  }
0x1c: {  	p1 =	slt.u32 s9, $0xF7A;
	s5 =	simm.s32 @!p2 $0x0  }
0x1d: {  	s5 =	simm.s32 @p1 $0x1;
	p0 =	seq.s32 s7, s2  }
0x1e: {  	s7 =	smul.u32 @!p0 $0xF7A, s2;
	p2 =	seq.s32 @!p0 s5, $0x0  }
0x1f: {  	s9 =	smul.u32 $0xF7A, s1;
	s8 =	simm.s32 @!p0 $0x1BF5;
	p2 =	por !p2, p0  }
0x20: {  	[sflag:s8] =	ssyncset.s32 @!p0 $0xFFFFF086;
	s6 =	sadd.s32 @!p0 s3, s7;
	s7 =	simm.s32 @!p0 $0x108  }
0x21: {  	s3 =	sadd.s32 s3, s9;
	s6 =	sadd.s32 @!p0 $0x88, s6;
	s7 =	simm.s32 @p2 $0x1082  }
0x22: {  	[simem:s7], [sflag:s8] =	dma.local @!p0 [hbm:s6], $0xF7A  }
0x23: {  	s9 =	sor.u32 $0xD0000000, s2;
	s6 =	simm.s32 $0x108;
	_ =	swait.ge @!p0 [sflag:s8], $0x0  }
0x24: {  	s3 =	sadd.s32 $0x88, s3;
	s6 =	simm.s32 @!p1 $0x1082;
	[sflag:s4] =	ssyncset.s32 $0xFFFFF086  }
0x25: {  	[simem:s6], [sflag:s4] =	dma.local [hbm:s3], $0xF7A  }
0x26: {  	[smem:$0x3F9F] =	sst s1;
	(tag) =	ssettag s2;
	_ =	strace s9  }
0x27: {  	s1 =	sld [smem:$0x3FAF]  }
0x28: {  	s2 =	sld [smem:$0x3FB0]  }
0x29: {  	s4 =	sld [smem:$0x3FB2]  }
0x2a: {  	p0 =	seq.s32 s5, $0x0;
	s5 =	sld [smem:$0x3FB3]  }
0x2b: {  	s6 =	sld [smem:$0x3FB4]  }
0x2c: {  	s7 =	sld [smem:$0x3FB5]  }
0x2d: {  	s3 =	simm.s32 $0x108;
	s8 =	sld [smem:$0x3FB6]  }
0x2e: {  	s3 =	simm.s32 @!p0 $0x1082;
	s9 =	sld [smem:$0x3FB7]  }
0x2f: {  	lr =	sadd.s32 s0, s3;
	s0 =	sld [smem:$0x3FAE]  }
0x30: {  	s3 =	sld [smem:$0x3FB1]  }
0x31: {  	[smem:$0x3FBA] =	sst s10  }
0x32: {  	s10 =	sld [smem:$0x3FB8];
	_ =	sdelay $0x3  }
0x33: {  	p0 =	seq.s32 s10, $0x1;
	s10 =	sld [smem:$0x3FBA];
	_ =	sdelay $0x3  }
0x34: {  	[smem:$0x3FBA] =	sst s10  }
0x35: {  	s10 =	sld [smem:$0x3FB9];
	_ =	sdelay $0x3  }
0x36: {  	p1 =	seq.s32 s10, $0x1;
	s10 =	sld [smem:$0x3FBA];
	_ =	sdelay $0x3  }
0x37: {  	[smem:$0x3FBA] =	sst s10  }
0x38: {  	s10 =	sld [smem:$0x3FBB]  }
0x39: {  	_ = 	snop;
	(pc) =	sbr.ind lr, $3  }
0x3a: {  	_ = 	snop  }
0x3b: {  	_ = 	snop  }
0x3c: {  	p2 =	seq.s32 s10, $0x1;
	s10 =	sld [smem:$0x3FBA]  }
0x3d: {  	_ =	shalt  }
0x3e: {  	_ =	shalt  }
0x3f: {  	_ =	shalt  }
0x40: {  	_ =	shalt  }
0x41: {  	_ =	shalt  }
0x42: {  	_ =	shalt  }
0x43: {  	_ =	shalt  }
0x44: {  	_ =	shalt  }
0x45: {  	_ =	shalt  }
0x46: {  	_ =	shalt  }
0x47: {  	_ =	shalt  }
0x48: {  	_ =	shalt  }
0x49: {  	_ =	shalt  }
0x4a: {  	_ =	shalt  }
0x4b: {  	_ =	shalt  }
0x4c: {  	_ =	shalt  }
0x4d: {  	_ =	shalt  }
0x4e: {  	_ =	shalt  }
0x4f: {  	_ =	shalt  }
0x50: {  	_ =	shalt  }
0x51: {  	_ =	shalt  }
0x52: {  	_ =	shalt  }
0x53: {  	_ =	shalt  }
0x54: {  	_ =	shalt  }
0x55: {  	_ =	shalt  }
0x56: {  	_ =	shalt  }
0x57: {  	_ =	shalt  }
0x58: {  	_ =	shalt  }
0x59: {  	_ =	shalt  }
0x5a: {  	_ =	shalt  }
0x5b: {  	_ =	shalt  }
0x5c: {  	_ =	shalt  }
0x5d: {  	_ =	shalt  }
0x5e: {  	_ =	shalt  }
0x5f: {  	_ =	shalt  }
0x60: {  	_ =	shalt  }
0x61: {  	_ =	shalt  }
0x62: {  	_ =	shalt  }
0x63: {  	_ =	shalt  }
0x64: {  	_ =	shalt  }
0x65: {  	_ =	shalt  }
0x66: {  	_ =	shalt  }
0x67: {  	_ =	shalt  }
0x68: {  	_ =	shalt  }
0x69: {  	_ =	shalt  }
0x6a: {  	_ =	shalt  }
0x6b: {  	_ =	shalt  }
0x6c: {  	_ =	shalt  }
0x6d: {  	_ =	shalt  }
0x6e: {  	_ =	shalt  }
0x6f: {  	_ =	shalt  }
0x70: {  	_ =	shalt  }
0x71: {  	_ =	shalt  }
0x72: {  	_ =	shalt  }
0x73: {  	_ =	shalt  }
0x74: {  	_ =	shalt  }
0x75: {  	_ =	shalt  }
0x76: {  	_ =	shalt  }
0x77: {  	_ =	shalt  }
0x78: {  	_ =	shalt  }
0x79: {  	_ =	shalt  }
0x7a: {  	_ =	shalt  }
0x7b: {  	_ =	shalt  }
0x7c: {  	_ =	shalt  }
0x7d: {  	_ =	shalt  }
0x7e: {  	_ =	shalt  }
0x7f: {  	_ =	shalt  }
0x80: {  	_ =	shalt  }
0x81: {  	_ =	shalt  }
0x82: {  	_ =	shalt  }
0x83: {  	_ =	shalt  }
0x84: {  	_ =	shalt  }
0x85: {  	_ =	shalt  }
0x86: {  	_ =	shalt  }
0x87: {  	_ =	shalt  }
.Lfunc_end0:
.L_simem_size_0:
called_computation_lowered:
.L_overlay_start_0:
0x88: {  	s2 =	sld [smem:$0x3FD9]  }
0x89: {  	s3 =	sld [smem:$0x3FFE];
	_ =	sdelay $0x1  }
0x8a: {  	s1 =	srdreg.scid  }
0x8b: {  	s0 =	sand.u32 $0x1, s1  }
0x8c: {  	s17 =	sshll.u32 s0, $0xA;
	s2 =	sadd.s32 s3, s2  }
0x8d: {  	s2 =	sadd.s32 s2, s17  }
0x8e: {  	[smem:$0x3FC6] =	sst s2  }
0x8f: {  	_ = 	snop  }
0x90: {  	s2 =	sld [smem:$0x3FD0];
	(tm) =	ssettm $0x1  }
0x91: {  	s18 =	sld [smem:$0x3FFB];
	_ =	sdelay $0x3  }
0x92: {  	_ =	strace s18  }
0x93: {  	s3 =	sld [smem:$0x3FFC];
	_ =	sdelay $0x3  }
0x94: {  	_ =	strace s3  }
0x95: {  	s3 =	sld [smem:$0x3FFD];
	_ =	sdelay $0x3  }
0x96: {  	_ =	strace s3  }
0x97: {  	_ =	strace $0x8FFFFFFF  }
0x98: {  	s19 =	sld [smem:$0x3FDB];
	_ =	sdelay $0x1  }
0x99: {  	s4 =	simm.s32 $_scs_section_size  }
0x9a: {  	s5 =	simm.s32 $_size__tile_overlayer_lowered;
	s6 =	simm.s32 $_tile_overlayer_lowered  }
0x9b: {  	s22 =	simm.s32 $0x1BFF;
	s21 =	sshll.u32 s6, $0x1;
	s3 =	sadd.s32 s4, s19  }
0x9c: {  	s7 =	simm.s32 $0x0;
	s20 =	sshll.u32 s5, $0x1;
	s5 =	sadd.s32 s21, s3  }
0x9d: {  	[timem:s7], [sflag:s22] =	dma.local [hbm:s5], s20  }
0x9e: {  	_ =	swait.ge [sflag:s22], s20  }
0x9f: {  	s4 =	ssub.s32 $0x0, s20;
	[sflag:s22] =	ssyncset.done $0x0  }
0xa0: {  	[sflag:s22] =	ssyncadd.s32 s4;
	_ =	sdelay $0x1  }
0xa1: {  	s23 =	simm.s32 $0x1B8B  }
0xa2: {  	_ =	swait.ge [sflag:s23], $0x1  }
0xa3: {  	[sflag:s23] =	ssyncset.done $0x0  }
0xa4: {  	s25 =	simm.s32 $0x1B8E;
	s24 =	sld [smem:$0x3FFE];
	[sflag:s23] =	ssyncadd.s32 $0xFFFFFFFF  }
0xa5: {  	s26 =	simm.s32 $execute0_lowered;
	[smem:$0x3FD2] =	sst s25  }
0xa6: {  	s5 =	sshll.u32 s26, $0x1;
	_ =	strace $0x80000046;
	[dreg:$0x1] =	wrdreg $0xFFFFFFFF  }
0xa7: {  	s28 =	simm.s32 $_size_execute0_lowered;
	s3 =	sadd.s32 s3, s5;
	[dreg:$0x0] =	wrdreg $0x0  }
0xa8: {  	s5 =	sshll.u32 s28, $0x1;
	[dreg:$0x2] =	wrdreg s3  }
0xa9: {  	[dreg:$0x3] =	wrdreg s5  }
0xaa: {  	[dreg:$0x4] =	wrdreg $0xC0  }
0xab: {  	_ =	task [dreg:s7], $0x5FFFF  }
0xac: {  	[dreg:$0x1] =	wrdreg $0xFFFFFFFF  }
0xad: {  	[dreg:$0x0] =	wrdreg $0x60  }
0xae: {  	[dreg:$0x2] =	wrdreg s24  }
0xaf: {  	[dreg:$0x3] =	wrdreg s2  }
0xb0: {  	[dreg:$0x4] =	wrdreg $0x9  }
0xb1: {  	_ =	task.clear_ibuf [dreg:s7], $0x5FFFF;
	_ =	strace $0x90000046  }
0xb2: {  	s29 =	simm.s32 $0x9;
	_ =	strace $0x80000048  }
0xb3: {  	_ =	swait.ge [sflag:s29], $0x1  }
0xb4: {  	[sflag:s29] =	ssyncadd.s32 $0xFFFFFFFF  }
0xb5: {  	_ =	strace $0x90000048  }
0xb6: {  	_ =	sfence  }
0xb7: {  	s30 =	sld [smem:$0x0];
	_ =	sdelay $0x2  }
0xb8: {  	s31 =	sshll.u32 s1, $0xD;
	s1 =	sshrl.u32 s1, $0x2  }
0xb9: {  	s3 =	sand.u32 $0x4000, s31;
	s1 =	sadd.s32 s1, s30  }
0xba: {  	s0 =	sor.u32 s3, s0;
	s1 =	sshll.u32 s1, $0x11  }
0xbb: {  	s0 =	sor.u32 s1, s0  }
0xbc: {  	s0 =	sadd.s32 $0x8F2B, s0  }
0xbd: {  	[sflag:s0] =	ssyncadd.remote.s32 $0x1  }
0xbe: {  	_ =	sfence.sel $0xFFFF  }
0xbf: {  	[dreg:$0x0] =	wrdreg $0xFFFFFFFF;
	(pc) =	sbr.abs _section_cstart, $3  }
0xc0: {  	[dreg:$0x1] =	wrdreg $0xFFFFFFFF  }
0xc1: {  	_ =	task.clear_ibuf [dreg:s7], $0x2FFFF;
	_ =	strace $0x9FFFFFFF  }
0xc2: {  	(tm) =	ssettm $0x7FFFFFFF  }
0xc3: {  	_ =	shalt  }
tec
execute0_lowered:
.L_overlay_start_1:
0x0: {  	(tag) =	ssettag $0x1  }
0x1: {  	s1 =	srdreg.scid;
	s0 =	stileid.u32  }
0x2: {  	s22 =	rddreg [dreg:$0x0];
	s21 =	sand.u32 $0x1, s1;
	s30 =	sshll.u32 s0, $0x1  }
0x3: {  	s23 =	rddreg [dreg:$0x1];
	s24 =	sor.u32 s21, s30  }
0x4: {  	s2 =	simm.s32 $0x0;
	s1 =	rddreg [dreg:$0x2];
	s3 =	sshll.u32 s24, $0x6  }
0x5: {  	[smem:$0x7FF] =	sst s2;
	s5 =	sadd.s32 s3, s22  }
0x6: {  	_ =	strace $0x80000047;
	s3 =	simm.s32 $0x2;
	s4 =	sadd.s32 $0x400, s5  }
0x7: {  	[tilespmem:s2], [sflag:$0x2] =	stream.linear.gather [hbm4b:s4+s2], $0x180, $0x38;
	[tilespmem:$0x12400] =	vst v63  }
0x8: {  	_ =	swait.ge [sflag:s3], $0x180  }
0x9: {  	[sflag:s3] =	ssyncset.done $0x0  }
0xa: {  	s6 =	simm.s32 $0x200;
	s5 =	sadd.s32 $0xC00, s5;
	[sflag:s3] =	ssyncadd.s32 $0xFFFFFE80  }
0xb: {  	[tilespmem:s6], [sflag:$0x2] =	stream.linear.gather [hbm4b:s5+s2], $0x180, $0x38;
	[tilespmem:$0x12400] =	vst v63  }
0xc: {  	_ =	swait.ge [sflag:s3], $0x180  }
0xd: {  	s8 =	simm.s32 $0x60;
	[sflag:s3] =	ssyncset.done $0x0  }
0xe: {  	s9 =	simm.s32 $0x400;
	s7 =	sadd.s32 $0x1400, s22;
	[sflag:s3] =	ssyncadd.s32 $0xFFFFFE80  }
0xf: {  	[tilespmem:s9], [sflag:$0x1] =	stream.indirect.gather [hbm4b:s7+s8], $0x80, s2, s8, $0xb8;
	[tilespmem:$0x12400] =	vst v63  }
0x10: {  	s11 =	simm.s32 $0x9400;
	s10 =	sadd.s32 $0x25400, s22  }
0x11: {  	[tilespmem:s11], [sflag:$0x1] =	stream.indirect.gather [hbm4b:s10+s8], $0x80, s6, s8, $0xb8;
	[tilespmem:$0x12400] =	vst v63  }
0x12: {  	s12 =	simm.s32 $0x80;
	s13 =	simm.s32 $0x3400  }
0x13: {  	[tilespmem:s13], [sflag:$0x1] =	stream.indirect.gather [hbm4b:s7+s8], $0x80, s12, s8, $0xb8;
	[tilespmem:$0x12400] =	vst v63  }
0x14: {  	s14 =	simm.s32 $0x280;
	s15 =	simm.s32 $0xC400  }
0x15: {  	[tilespmem:s15], [sflag:$0x1] =	stream.indirect.gather [hbm4b:s10+s8], $0x80, s14, s8, $0xb8;
	[tilespmem:$0x12400] =	vst v63  }
0x16: {  	s16 =	simm.s32 $0x100;
	s17 =	simm.s32 $0x6400  }
0x17: {  	[tilespmem:s17], [sflag:$0x1] =	stream.indirect.gather [hbm4b:s7+s8], $0x80, s16, s8, $0xb8;
	[tilespmem:$0x12400] =	vst v63  }
0x18: {  	s18 =	simm.s32 $0x300;
	s19 =	simm.s32 $0xF400;
	s20 =	simm.s32 $0x1  }
0x19: {  	[tilespmem:s19], [sflag:$0x1] =	stream.indirect.gather [hbm4b:s10+s8], $0x80, s18, s8, $0xb8;
	[tilespmem:$0x12400] =	vst v63  }
0x1a: {  	_ =	swait.ge [sflag:s20], $0x3000  }
0x1b: {  	[sflag:s20] =	ssyncset.done $0x0  }
0x1c: {  	[sflag:s20] =	ssyncadd.s32 $0xFFFFD000  }
0x1d: {  	_ =	swait.ge [sflag:s20], $0x3000  }
0x1e: {  	[sflag:s20] =	ssyncset.done $0x0  }
0x1f: {  	[sflag:s20] =	ssyncadd.s32 $0xFFFFD000  }
0x20: {  	_ =	swait.ge [sflag:s20], $0x3000  }
0x21: {  	[sflag:s20] =	ssyncset.done $0x0  }
0x22: {  	[sflag:s20] =	ssyncadd.s32 $0xFFFFD000  }
0x23: {  	_ =	swait.ge [sflag:s20], $0x3000  }
0x24: {  	[sflag:s20] =	ssyncset.done $0x0  }
0x25: {  	[sflag:s20] =	ssyncadd.s32 $0xFFFFD000  }
0x26: {  	_ =	swait.ge [sflag:s20], $0x3000  }
0x27: {  	[sflag:s20] =	ssyncset.done $0x0  }
0x28: {  	s25 =	ssub.s32 $0x2, s21;
	s24 =	smul.u32 $0x1200, s24;
	[sflag:s20] =	ssyncadd.s32 $0xFFFFD000  }
0x29: {  	s31 =	sshrl.u32 s25, $0x1;
	_ =	swait.ge [sflag:s20], $0x3000  }
0x2a: {  	s21 =	sadd.s32 s23, s24;
	s23 =	ssub.s32 s25, s31;
	[sflag:s20] =	ssyncset.done $0x0  }
0x2b: {  	s23 =	smax.u32 s23, $0x1;
	[sflag:s20] =	ssyncadd.s32 $0xFFFFD000  }
0x2c: {  	[hbm4b:s21+s2] =	stream.linear.scatter [tilespmem:s9], [sflag:$0x2], $0x9000, $0x38;
	[tilespmem:$0x12400] =	vst v63  }
0x2d: {  	p0 =	sne.s32 s23, $0x1;
	_ =	swait.ge [sflag:s3], $0x9000  }
.Ltmp0:
0x2e: {  	s22 =	sadd.s32 s24, s22;
	[sflag:s3] =	ssyncset.done $0x0;
	(pc) =	sbr.rel @!p0 .LBB2_2-.Ltmp0, $4  }
0x2f: {  	s22 =	sadd.s32 $0x49400, s22;
	[sflag:s3] =	ssyncadd.s32 $0xFFFF7000  }
0x30: {  	[hbm4b:s22+s2] =	stream.linear.scatter [tilespmem:s11], [sflag:$0x2], $0x9000, $0x38;
	[tilespmem:$0x12400] =	vst v63  }
0x31: {  	_ =	swait.ge [sflag:s3], $0x9000  }
0x32: {  	s23 =	sadd.s32 $0xFFFFFFFF, s23;
	[sflag:s3] =	ssyncset.done $0x0  }
.LBB2_1:
0x33: {  	p0 =	sne.s32 s23, $0x1;
	s23 =	sadd.s32 $0xFFFFFFFF, s23;
	[sflag:s3] =	ssyncadd.s32 $0xFFFF7000  }
0x34: {  	[tilespmem:s2], [sflag:$0x2] =	stream.linear.gather [hbm4b:s4+s2], $0x180, $0x38;
	[tilespmem:$0x12400] =	vst v63  }
0x35: {  	_ =	swait.ge [sflag:s3], $0x180  }
0x36: {  	[sflag:s3] =	ssyncset.done $0x0  }
0x37: {  	[sflag:s3] =	ssyncadd.s32 $0xFFFFFE80  }
0x38: {  	[tilespmem:s6], [sflag:$0x2] =	stream.linear.gather [hbm4b:s5+s2], $0x180, $0x38;
	[tilespmem:$0x12400] =	vst v63  }
0x39: {  	_ =	swait.ge [sflag:s3], $0x180  }
0x3a: {  	[sflag:s3] =	ssyncset.done $0x0  }
0x3b: {  	[sflag:s3] =	ssyncadd.s32 $0xFFFFFE80  }
0x3c: {  	[tilespmem:s9], [sflag:$0x1] =	stream.indirect.gather [hbm4b:s7+s8], $0x80, s2, s8, $0xb8;
	[tilespmem:$0x12400] =	vst v63  }
0x3d: {  	_ = 	snop  }
0x3e: {  	[tilespmem:s11], [sflag:$0x1] =	stream.indirect.gather [hbm4b:s10+s8], $0x80, s6, s8, $0xb8;
	[tilespmem:$0x12400] =	vst v63  }
0x3f: {  	_ = 	snop  }
0x40: {  	[tilespmem:s13], [sflag:$0x1] =	stream.indirect.gather [hbm4b:s7+s8], $0x80, s12, s8, $0xb8;
	[tilespmem:$0x12400] =	vst v63  }
0x41: {  	_ = 	snop  }
0x42: {  	[tilespmem:s15], [sflag:$0x1] =	stream.indirect.gather [hbm4b:s10+s8], $0x80, s14, s8, $0xb8;
	[tilespmem:$0x12400] =	vst v63  }
0x43: {  	_ = 	snop  }
0x44: {  	[tilespmem:s17], [sflag:$0x1] =	stream.indirect.gather [hbm4b:s7+s8], $0x80, s16, s8, $0xb8;
	[tilespmem:$0x12400] =	vst v63  }
0x45: {  	_ = 	snop  }
0x46: {  	[tilespmem:s19], [sflag:$0x1] =	stream.indirect.gather [hbm4b:s10+s8], $0x80, s18, s8, $0xb8;
	[tilespmem:$0x12400] =	vst v63  }
0x47: {  	_ =	swait.ge [sflag:s20], $0x3000  }
0x48: {  	[sflag:s20] =	ssyncset.done $0x0  }
0x49: {  	[sflag:s20] =	ssyncadd.s32 $0xFFFFD000  }
0x4a: {  	_ =	swait.ge [sflag:s20], $0x3000  }
0x4b: {  	[sflag:s20] =	ssyncset.done $0x0  }
0x4c: {  	[sflag:s20] =	ssyncadd.s32 $0xFFFFD000  }
0x4d: {  	_ =	swait.ge [sflag:s20], $0x3000  }
0x4e: {  	[sflag:s20] =	ssyncset.done $0x0  }
0x4f: {  	[sflag:s20] =	ssyncadd.s32 $0xFFFFD000  }
0x50: {  	_ =	swait.ge [sflag:s20], $0x3000  }
0x51: {  	[sflag:s20] =	ssyncset.done $0x0  }
0x52: {  	[sflag:s20] =	ssyncadd.s32 $0xFFFFD000  }
0x53: {  	_ =	swait.ge [sflag:s20], $0x3000  }
0x54: {  	[sflag:s20] =	ssyncset.done $0x0  }
0x55: {  	[sflag:s20] =	ssyncadd.s32 $0xFFFFD000  }
0x56: {  	_ =	swait.ge [sflag:s20], $0x3000  }
0x57: {  	[sflag:s20] =	ssyncset.done $0x0  }
0x58: {  	[sflag:s20] =	ssyncadd.s32 $0xFFFFD000  }
0x59: {  	[hbm4b:s21+s2] =	stream.linear.scatter [tilespmem:s9], [sflag:$0x2], $0x9000, $0x38;
	[tilespmem:$0x12400] =	vst v63  }
0x5a: {  	_ =	swait.ge [sflag:s3], $0x9000  }
.Ltmp1:
0x5b: {  	[sflag:s3] =	ssyncset.done $0x0;
	(pc) =	sbr.rel @p0 .LBB2_1-.Ltmp1, $4  }
0x5c: {  	[sflag:s3] =	ssyncadd.s32 $0xFFFF7000  }
0x5d: {  	[hbm4b:s22+s2] =	stream.linear.scatter [tilespmem:s11], [sflag:$0x2], $0x9000, $0x38;
	[tilespmem:$0x12400] =	vst v63  }
0x5e: {  	_ =	swait.ge [sflag:s3], $0x9000  }
0x5f: {  	[sflag:s3] =	ssyncset.done $0x0  }
.LBB2_2:
0x60: {  	[sflag:s3] =	ssyncadd.s32 $0xFFFF7000  }
0x61: {  	_ =	sfence.sel $0x180000  }
0x62: {  	[bflag:$0x0] =	sbarrier.arrive $0xFFFF  }
0x63: {  	p0 =	sne.s32 s0, $0x0;
	_ =	strace $0x90000047  }
0x64: {  	s0 =	sadd.s32 @!p0 $0x100000, s1;
	[bflag:$0x2] =	sbarrier.arrive $0xFFFF  }
0x65: {  	[sflag:s0] =	ssyncadd.tile.s32 @!p0 $0x1;
	_ =	shalt  }
.Lfunc_end2:
_tile_overlayer_lowered:
.L_overlay_start_2:
0x66: {  	(tag) =	ssettag $0x2  }
0x67: {  	s0 =	rddreg [dreg:$0x0];
	s2 =	stileid.u32  }
0x68: {  	s1 =	rddreg [dreg:$0x1];
	p0 =	sne.s32 s2, $0x0  }
0x69: {  	s3 =	rddreg [dreg:$0x2];
	[bflag:$0x3] =	sbarrier.arrive $0xFFFF;
	s2 =	simm.s32 @!p0 $0x1C02  }
0x6a: {  	[timem:s3], [sflag:s2] =	dma.local @!p0 [hbm:s0], s1  }
0x6b: {  	s0 =	simm.s32 @!p0 $0x2  }
0x6c: {  	_ =	swait.ge @!p0 [sflag:s0], s1  }
0x6d: {  	s1 =	ssub.s32 @!p0 $0x0, s1;
	[sflag:s0] =	ssyncset.done @!p0 $0x0  }
0x6e: {  	[sflag:s0] =	ssyncadd.s32 @!p0 s1  }
0x6f: {  	[bflag:$0x3] =	sbarrier.arrive $0xFFFF  }
0x70: {  	_ =	shalt  }

</sc_bundles>
